<compile_context>
chip_gen: v7x
topology: tpu7x:2x2x1
jax: 0.10.2.dev20260603
libtpu: 0.0.44.dev20260713+nightly
codegen_flags: <defaults>
</compile_context>

<pallas_src>
import functools

import jax
import jax.numpy as jnp
from jax import lax
from jax.experimental import pallas as pl
from jax.experimental.pallas import tpu as pltpu
from jax.experimental.pallas import tpu_sc as plsc

N_NODES = 10000
N_EDGES = 320000
D = 128

CHUNK = 128
NUM_CHUNKS = N_EDGES // CHUNK
NC, NS = 2, 16
NW = NC * NS
BASE_CHUNKS = NUM_CHUNKS // NW
EXTRA = NUM_CHUNKS - BASE_CHUNKS * NW
ROWS_PER_SUB = 624
TAIL_ROWS = N_NODES - NS * ROWS_PER_SUB
ZROWS = 16

ROW_BLK = 1000


def _h_body(x_ref, w_ref, b_ref, o_ref):
    o_ref[...] = (
        jnp.dot(x_ref[...], w_ref[...], preferred_element_type=jnp.float32)
        + b_ref[...]
    )


def _h_matmul(x, w_t, b2d):
    return pl.pallas_call(
        _h_body,
        grid=(N_NODES // ROW_BLK,),
        in_specs=[
            pl.BlockSpec((ROW_BLK, D), lambda i: (i, 0)),
            pl.BlockSpec((D, D), lambda i: (0, 0)),
            pl.BlockSpec((1, D), lambda i: (0, 0)),
        ],
        out_specs=pl.BlockSpec((ROW_BLK, D), lambda i: (i, 0)),
        out_shape=jax.ShapeDtypeStruct((N_NODES, D), jnp.float32),
    )(x, w_t, b2d)


def _sc_body(src_hbm, dst_hbm, h_hbm, out0, out1,
             sidx0, sidx1, sidx2, didx0, didx1, didx2,
             rows0, rows1, rows2, agg,
             lsem0, lsem1, lsem2, gsem0, gsem1, gsem2):
    c = lax.axis_index("c")
    s = lax.axis_index("s")
    wid = s * NC + c

    start = wid * BASE_CHUNKS + jnp.minimum(wid, EXTRA)
    has_extra = wid < EXTRA

    sidx = [sidx0, sidx1, sidx2]
    didx = [didx0, didx1, didx2]
    rows = [rows0, rows1, rows2]
    lsem = [lsem0, lsem1, lsem2]
    gsem = [gsem0, gsem1, gsem2]

    def chunk_off(j):
        cid = jnp.minimum(start + j, NUM_CHUNKS - 1)
        return pl.multiple_of(cid * CHUNK, CHUNK)

    def fire_l(j, b):
        off = chunk_off(j)
        pltpu.async_copy(src_hbm.at[pl.ds(off, CHUNK)], sidx[b], lsem[b])
        pltpu.async_copy(dst_hbm.at[pl.ds(off, CHUNK)], didx[b], lsem[b])

    def wait_l(b):
        pltpu.make_async_copy(src_hbm.at[pl.ds(0, CHUNK)], sidx[b],
                              lsem[b]).wait()
        pltpu.make_async_copy(dst_hbm.at[pl.ds(0, CHUNK)], didx[b],
                              lsem[b]).wait()

    def fire_g(b):
        pltpu.async_copy(h_hbm.at[sidx[b]], rows[b], gsem[b])

    def wait_g(b):
        pltpu.make_async_copy(h_hbm.at[sidx[b]], rows[b], gsem[b]).wait()

    for b in range(3):
        fire_l(b, b)
    wait_l(0)
    fire_g(0)
    wait_l(1)
    fire_g(1)

    zero = jnp.zeros((16,), jnp.float32)

    def zrow(r, carry):
        for cc in range(8):
            rows2[r, pl.ds(cc * 16, 16)] = zero
        return carry

    lax.fori_loop(0, ZROWS, zrow, 0)
    rs = pl.multiple_of(s * ROWS_PER_SUB, 8)
    zsrc = rows2.at[pl.ds(0, ZROWS)]

    def zcopy(b, carry):
        off = pl.multiple_of(rs + b * ZROWS, 8)
        pltpu.sync_copy(zsrc, agg.at[pl.ds(off, ZROWS)])
        return carry

    lax.fori_loop(0, ROWS_PER_SUB // ZROWS, zcopy, 0)

    @pl.when(s == NS - 1)
    def _():
        pltpu.sync_copy(zsrc, agg.at[pl.ds(NS * ROWS_PER_SUB, TAIL_ROWS)])

    plsc.subcore_barrier()

    def pipe_body(i, carry):
        j0 = 3 * i
        for k in range(3):
            g = (k + 2) % 3
            wait_g(k)
            wait_l(g)
            fire_g(g)
            pltpu.sync_copy(rows[k], agg.at[didx[k]], add=True)
            fire_l(j0 + k + 3, k)
        return carry

    lax.fori_loop(0, BASE_CHUNKS // 3, pipe_body, 0)

    wait_g(0)
    wait_g(1)
    wait_l(2)

    @pl.when(has_extra)
    def _():
        pltpu.sync_copy(rows[0], agg.at[didx[0]], add=True)

    plsc.subcore_barrier()

    out = [out0, out1]
    for ci in range(NC):
        @pl.when(c == ci)
        def _(ci=ci):
            pltpu.sync_copy(agg.at[pl.ds(rs, ROWS_PER_SUB)],
                            out[ci].at[pl.ds(rs, ROWS_PER_SUB)])

            @pl.when(s == NS - 1)
            def _():
                pltpu.sync_copy(
                    agg.at[pl.ds(NS * ROWS_PER_SUB, TAIL_ROWS)],
                    out[ci].at[pl.ds(NS * ROWS_PER_SUB, TAIL_ROWS)])


@functools.partial(jax.jit, donate_argnums=())
def _segment_sum_sc(src, dst, h):
    mesh = plsc.VectorSubcoreMesh(core_axis_name="c", subcore_axis_name="s")
    f = pl.kernel(
        _sc_body,
        out_type=(
            jax.ShapeDtypeStruct((N_NODES, D), jnp.float32),
            jax.ShapeDtypeStruct((N_NODES, D), jnp.float32),
        ),
        mesh=mesh,
        scratch_types=[
            pltpu.VMEM((CHUNK,), jnp.int32),
            pltpu.VMEM((CHUNK,), jnp.int32),
            pltpu.VMEM((CHUNK,), jnp.int32),
            pltpu.VMEM((CHUNK,), jnp.int32),
            pltpu.VMEM((CHUNK,), jnp.int32),
            pltpu.VMEM((CHUNK,), jnp.int32),
            pltpu.VMEM((CHUNK, D), jnp.float32),
            pltpu.VMEM((CHUNK, D), jnp.float32),
            pltpu.VMEM((CHUNK, D), jnp.float32),
            pltpu.VMEM_SHARED((N_NODES, D), jnp.float32),
            pltpu.SemaphoreType.DMA,
            pltpu.SemaphoreType.DMA,
            pltpu.SemaphoreType.DMA,
            pltpu.SemaphoreType.DMA,
            pltpu.SemaphoreType.DMA,
            pltpu.SemaphoreType.DMA,
        ],
    )
    return f(src, dst, h)


def _out_body(p0_ref, p1_ref, u_ref, phit_ref, phib_ref, hwt_ref, hb_ref,
              h2_ref, y_ref):
    t = (
        p0_ref[...] + p1_ref[...]
        + jnp.dot(u_ref[...], phit_ref[...], preferred_element_type=jnp.float32)
        + phib_ref[...]
    )
    h2 = jnp.maximum(t, 0.0)
    h2_ref[...] = h2
    y_ref[...] = (
        jnp.dot(h2, hwt_ref[...], preferred_element_type=jnp.float32)
        + hb_ref[...]
    )


def _out_tc(p0, p1, u, phi_t, phib2d, head_t, headb2d):
    return pl.pallas_call(
        _out_body,
        grid=(N_NODES // ROW_BLK,),
        in_specs=[
            pl.BlockSpec((ROW_BLK, D), lambda i: (i, 0)),
            pl.BlockSpec((ROW_BLK, D), lambda i: (i, 0)),
            pl.BlockSpec((ROW_BLK, D), lambda i: (i, 0)),
            pl.BlockSpec((D, D), lambda i: (0, 0)),
            pl.BlockSpec((1, D), lambda i: (0, 0)),
            pl.BlockSpec((D, 64), lambda i: (0, 0)),
            pl.BlockSpec((1, 64), lambda i: (0, 0)),
        ],
        out_specs=[
            pl.BlockSpec((ROW_BLK, D), lambda i: (i, 0)),
            pl.BlockSpec((ROW_BLK, 64), lambda i: (i, 0)),
        ],
        out_shape=[
            jax.ShapeDtypeStruct((N_NODES, D), jnp.float32),
            jax.ShapeDtypeStruct((N_NODES, 64), jnp.float32),
        ],
    )(p0, p1, u, phi_t, phib2d, head_t, headb2d)


def kernel(x, u, edge_index, W_w, W_b, phi_w, phi_b, head_w, head_b):
    h = _h_matmul(x, W_w.T, W_b.reshape(1, D))
    p0, p1 = _segment_sum_sc(edge_index[0], edge_index[1], h)
    h2, y = _out_tc(p0, p1, u, phi_w.T, phi_b.reshape(1, D),
                    head_w.T, head_b.reshape(1, 64))
    return (h2, y)

# --- scband reference (transcript-rebuilt; emitter-appended) ---
"""Pipeline reference for scband-recurrent-graph-neural-net-43361989821071 (READ-ONLY COPY).

The authoritative reference and input builder live on the scoring server;
editing this copy changes nothing except your own understanding.
"""

import jax, jax.numpy as jnp
import numpy as np

N_NODES = 10000
N_EDGES = 320000
HIDDEN = 128
NODE_CH = 128
PRED_CH = 64


def setup_inputs(seed: int = 0) -> dict:
    key = jax.random.key(seed)
    ks = jax.random.split(key, 10)
    x = jax.random.normal(ks[0], (N_NODES, HIDDEN), dtype=jnp.float32)
    u = jax.random.normal(ks[1], (N_NODES, NODE_CH), dtype=jnp.float32)
    edge_index = jax.random.randint(ks[2], (2, N_EDGES), 0, N_NODES, dtype=jnp.int64 if jax.config.jax_enable_x64 else jnp.int32).astype(jnp.int32)
    # learned params (kaiming-ish scaling)
    W_w = jax.random.normal(ks[3], (HIDDEN, HIDDEN), dtype=jnp.float32) * (2.0 / HIDDEN) ** 0.5
    W_b = jax.random.uniform(ks[4], (HIDDEN,), dtype=jnp.float32)
    phi_w = jax.random.normal(ks[5], (HIDDEN, NODE_CH), dtype=jnp.float32) * (2.0 / NODE_CH) ** 0.5
    phi_b = jax.random.uniform(ks[6], (HIDDEN,), dtype=jnp.float32)
    head_w = jax.random.normal(ks[7], (PRED_CH, HIDDEN), dtype=jnp.float32) * (1.0 / HIDDEN) ** 0.5
    head_b = jax.random.uniform(ks[8], (PRED_CH,), dtype=jnp.float32)
    return {"x": x, "u": u, "edge_index": edge_index, "W_w": W_w, "W_b": W_b,
            "phi_w": phi_w, "phi_b": phi_b, "head_w": head_w, "head_b": head_b}


def reference(x, u, edge_index, W_w, W_b, phi_w, phi_b, head_w, head_b):
    # GeneralGraphLayer.forward
    h = x @ W_w.T + W_b                       # self.W(x)
    src = edge_index[0]
    dst = edge_index[1]
    msg = jnp.take(h, src, axis=0)            # message: x_j from source nodes
    agg = jax.ops.segment_sum(msg, dst, num_segments=x.shape[0])  # scatter-add aggregate at target nodes
    h2 = agg + (u @ phi_w.T + phi_b)          # + U(u) (node-feature transform)
    h2 = jax.nn.relu(h2)                      # activation_fn
    # prediction head
    y = h2 @ head_w.T + head_b
    return (h2, y)

if __name__ == "__main__":
    import jax
    _d = setup_inputs()
    print(jax.jit(kernel)(*tuple(_d.values())))

</pallas_src>

<mosaic_0001>
#map = affine_map<(d0, d1) -> (0)>
#map1 = affine_map<(d0, d1) -> (0, 0)>
module attributes {stable_mosaic.version = 14 : i64} {
  func.func @_sc_body(%arg0: i32, %arg1: i32, %arg2: memref<320000xi32, #tpu.memory_space<hbm>>, %arg3: memref<320000xi32, #tpu.memory_space<hbm>>, %arg4: memref<10000x128xf32, #tpu.memory_space<hbm>>, %arg5: memref<10000x128xf32, #tpu.memory_space<hbm>>, %arg6: memref<10000x128xf32, #tpu.memory_space<hbm>>, %arg7: memref<128xi32, #tpu.memory_space<vmem>>, %arg8: memref<128xi32, #tpu.memory_space<vmem>>, %arg9: memref<128xi32, #tpu.memory_space<vmem>>, %arg10: memref<128xi32, #tpu.memory_space<vmem>>, %arg11: memref<128xi32, #tpu.memory_space<vmem>>, %arg12: memref<128xi32, #tpu.memory_space<vmem>>, %arg13: memref<128x128xf32, #tpu.memory_space<vmem>>, %arg14: memref<128x128xf32, #tpu.memory_space<vmem>>, %arg15: memref<128x128xf32, #tpu.memory_space<vmem>>, %arg16: memref<10000x128xf32, #tpu.memory_space<vmem_shared>>, %arg17: memref<!tpu.dma_semaphore, #tpu.memory_space<semaphore_mem>>, %arg18: memref<!tpu.dma_semaphore, #tpu.memory_space<semaphore_mem>>, %arg19: memref<!tpu.dma_semaphore, #tpu.memory_space<semaphore_mem>>, %arg20: memref<!tpu.dma_semaphore, #tpu.memory_space<semaphore_mem>>, %arg21: memref<!tpu.dma_semaphore, #tpu.memory_space<semaphore_mem>>, %arg22: memref<!tpu.dma_semaphore, #tpu.memory_space<semaphore_mem>>) attributes {dimension_semantics = [#tpu.dimension_semantics<core_parallel>, #tpu.dimension_semantics<subcore_parallel>], iteration_bounds = array<i64: 2, 16>, scalar_prefetch = 0 : i64, scratch_operands = 16 : i64, tpu.core_type = #tpu.core_type<sc_vector_subcore>, window_params = [{transform_indices = #map}, {transform_indices = #map}, {transform_indices = #map1}, {transform_indices = #map1}, {transform_indices = #map1}]} {
    %mul3A = arith.constant 2 : i32
    %mul3A_0 = arith.muli %arg1, %mul3A : i32
    %add3A = arith.addi %mul3A_0, %arg0 : i32
    %mul3A_1 = arith.constant 78 : i32
    %mul3A_2 = arith.muli %add3A, %mul3A_1 : i32
    %min3A = arith.constant 4 : i32
    %min3A_3 = arith.minsi %add3A, %min3A : i32
    %add3A_4 = arith.addi %mul3A_2, %min3A_3 : i32
    %lt3A = arith.constant 4 : i32
    %lt3A_5 = arith.cmpi slt, %add3A, %lt3A : i32
    %add3A_6 = arith.constant 0 : i32
    %add3A_7 = arith.addi %add3A_4, %add3A_6 : i32
    %min3A_8 = arith.constant 2499 : i32
    %min3A_9 = arith.minsi %add3A_7, %min3A_8 : i32
    %mul3A_10 = arith.constant 128 : i32
    %mul3A_11 = arith.muli %min3A_9, %mul3A_10 : i32
    %multiple_of3A = tpu.assume_multiple %mul3A_11, 128 : i32
    %dma_start3A = tpu.memref_slice %arg2[%multiple_of3A] : memref<320000xi32, #tpu.memory_space<hbm>> -> memref<128xi32, #tpu.memory_space<hbm>>
    %dma_start3A_12 = tpu.memref_slice %arg2[%multiple_of3A] : memref<320000xi32, #tpu.memory_space<hbm>> -> memref<128xi32, #tpu.memory_space<hbm>>
    tpu.enqueue_dma source(%dma_start3A_12 : memref<128xi32, #tpu.memory_space<hbm>>) target(%arg7 : memref<128xi32, #tpu.memory_space<vmem>>) target_semaphore(%arg17 : memref<!tpu.dma_semaphore, #tpu.memory_space<semaphore_mem>>)
    %dma_start3A_13 = tpu.memref_slice %arg3[%multiple_of3A] : memref<320000xi32, #tpu.memory_space<hbm>> -> memref<128xi32, #tpu.memory_space<hbm>>
    %dma_start3A_14 = tpu.memref_slice %arg3[%multiple_of3A] : memref<320000xi32, #tpu.memory_space<hbm>> -> memref<128xi32, #tpu.memory_space<hbm>>
    tpu.enqueue_dma source(%dma_start3A_14 : memref<128xi32, #tpu.memory_space<hbm>>) target(%arg10 : memref<128xi32, #tpu.memory_space<vmem>>) target_semaphore(%arg17 : memref<!tpu.dma_semaphore, #tpu.memory_space<semaphore_mem>>)
    %add3A_15 = arith.constant 1 : i32
    %add3A_16 = arith.addi %add3A_4, %add3A_15 : i32
    %min3A_17 = arith.constant 2499 : i32
    %min3A_18 = arith.minsi %add3A_16, %min3A_17 : i32
    %mul3A_19 = arith.constant 128 : i32
    %mul3A_20 = arith.muli %min3A_18, %mul3A_19 : i32
    %multiple_of3A_21 = tpu.assume_multiple %mul3A_20, 128 : i32
    %dma_start3A_22 = tpu.memref_slice %arg2[%multiple_of3A_21] : memref<320000xi32, #tpu.memory_space<hbm>> -> memref<128xi32, #tpu.memory_space<hbm>>
    %dma_start3A_23 = tpu.memref_slice %arg2[%multiple_of3A_21] : memref<320000xi32, #tpu.memory_space<hbm>> -> memref<128xi32, #tpu.memory_space<hbm>>
    tpu.enqueue_dma source(%dma_start3A_23 : memref<128xi32, #tpu.memory_space<hbm>>) target(%arg8 : memref<128xi32, #tpu.memory_space<vmem>>) target_semaphore(%arg18 : memref<!tpu.dma_semaphore, #tpu.memory_space<semaphore_mem>>)
    %dma_start3A_24 = tpu.memref_slice %arg3[%multiple_of3A_21] : memref<320000xi32, #tpu.memory_space<hbm>> -> memref<128xi32, #tpu.memory_space<hbm>>
    %dma_start3A_25 = tpu.memref_slice %arg3[%multiple_of3A_21] : memref<320000xi32, #tpu.memory_space<hbm>> -> memref<128xi32, #tpu.memory_space<hbm>>
    tpu.enqueue_dma source(%dma_start3A_25 : memref<128xi32, #tpu.memory_space<hbm>>) target(%arg11 : memref<128xi32, #tpu.memory_space<vmem>>) target_semaphore(%arg18 : memref<!tpu.dma_semaphore, #tpu.memory_space<semaphore_mem>>)
    %add3A_26 = arith.constant 2 : i32
    %add3A_27 = arith.addi %add3A_4, %add3A_26 : i32
    %min3A_28 = arith.constant 2499 : i32
    %min3A_29 = arith.minsi %add3A_27, %min3A_28 : i32
    %mul3A_30 = arith.constant 128 : i32
    %mul3A_31 = arith.muli %min3A_29, %mul3A_30 : i32
    %multiple_of3A_32 = tpu.assume_multiple %mul3A_31, 128 : i32
    %dma_start3A_33 = tpu.memref_slice %arg2[%multiple_of3A_32] : memref<320000xi32, #tpu.memory_space<hbm>> -> memref<128xi32, #tpu.memory_space<hbm>>
    %dma_start3A_34 = tpu.memref_slice %arg2[%multiple_of3A_32] : memref<320000xi32, #tpu.memory_space<hbm>> -> memref<128xi32, #tpu.memory_space<hbm>>
    tpu.enqueue_dma source(%dma_start3A_34 : memref<128xi32, #tpu.memory_space<hbm>>) target(%arg9 : memref<128xi32, #tpu.memory_space<vmem>>) target_semaphore(%arg19 : memref<!tpu.dma_semaphore, #tpu.memory_space<semaphore_mem>>)
    %dma_start3A_35 = tpu.memref_slice %arg3[%multiple_of3A_32] : memref<320000xi32, #tpu.memory_space<hbm>> -> memref<128xi32, #tpu.memory_space<hbm>>
    %dma_start3A_36 = tpu.memref_slice %arg3[%multiple_of3A_32] : memref<320000xi32, #tpu.memory_space<hbm>> -> memref<128xi32, #tpu.memory_space<hbm>>
    tpu.enqueue_dma source(%dma_start3A_36 : memref<128xi32, #tpu.memory_space<hbm>>) target(%arg12 : memref<128xi32, #tpu.memory_space<vmem>>) target_semaphore(%arg19 : memref<!tpu.dma_semaphore, #tpu.memory_space<semaphore_mem>>)
    %dma_wait3A = arith.constant 0 : i32
    %dma_wait3A_37 = tpu.memref_slice %arg2[%dma_wait3A] : memref<320000xi32, #tpu.memory_space<hbm>> -> memref<128xi32, #tpu.memory_space<hbm>>
    %dma_wait3A_38 = arith.constant 0 : i32
    %dma_wait3A_39 = tpu.memref_slice %arg2[%dma_wait3A_38] : memref<320000xi32, #tpu.memory_space<hbm>> -> memref<128xi32, #tpu.memory_space<hbm>>
    tpu.wait_dma2 semaphore(%arg17 : memref<!tpu.dma_semaphore, #tpu.memory_space<semaphore_mem>>) src(%dma_wait3A_39 : memref<128xi32, #tpu.memory_space<hbm>>) dst(%arg7 : memref<128xi32, #tpu.memory_space<vmem>>)
    %dma_wait3A_40 = arith.constant 0 : i32
    %dma_wait3A_41 = tpu.memref_slice %arg3[%dma_wait3A_40] : memref<320000xi32, #tpu.memory_space<hbm>> -> memref<128xi32, #tpu.memory_space<hbm>>
    %dma_wait3A_42 = arith.constant 0 : i32
    %dma_wait3A_43 = tpu.memref_slice %arg3[%dma_wait3A_42] : memref<320000xi32, #tpu.memory_space<hbm>> -> memref<128xi32, #tpu.memory_space<hbm>>
    tpu.wait_dma2 semaphore(%arg17 : memref<!tpu.dma_semaphore, #tpu.memory_space<semaphore_mem>>) src(%dma_wait3A_43 : memref<128xi32, #tpu.memory_space<hbm>>) dst(%arg10 : memref<128xi32, #tpu.memory_space<vmem>>)
    %dma_start3A_44 = arith.constant 0 : i32
    %dma_start3A_45 = arith.constant 0 : i32
    %dma_start3A_46 = tpu.memref_slice %arg4[%dma_start3A_44, %dma_start3A_45] : memref<10000x128xf32, #tpu.memory_space<hbm>> -> memref<10000x128xf32, #tpu.memory_space<hbm>>
    tpu.enqueue_indirect_dma source(%dma_start3A_46 : memref<10000x128xf32, #tpu.memory_space<hbm>>) target(%arg13 : memref<128x128xf32, #tpu.memory_space<vmem>>) offsets(%arg7 : memref<128xi32, #tpu.memory_space<vmem>>) semaphore(%arg20 : memref<!tpu.dma_semaphore, #tpu.memory_space<semaphore_mem>>)
    %dma_wait3A_47 = arith.constant 0 : i32
    %dma_wait3A_48 = tpu.memref_slice %arg2[%dma_wait3A_47] : memref<320000xi32, #tpu.memory_space<hbm>> -> memref<128xi32, #tpu.memory_space<hbm>>
    %dma_wait3A_49 = arith.constant 0 : i32
    %dma_wait3A_50 = tpu.memref_slice %arg2[%dma_wait3A_49] : memref<320000xi32, #tpu.memory_space<hbm>> -> memref<128xi32, #tpu.memory_space<hbm>>
    tpu.wait_dma2 semaphore(%arg18 : memref<!tpu.dma_semaphore, #tpu.memory_space<semaphore_mem>>) src(%dma_wait3A_50 : memref<128xi32, #tpu.memory_space<hbm>>) dst(%arg8 : memref<128xi32, #tpu.memory_space<vmem>>)
    %dma_wait3A_51 = arith.constant 0 : i32
    %dma_wait3A_52 = tpu.memref_slice %arg3[%dma_wait3A_51] : memref<320000xi32, #tpu.memory_space<hbm>> -> memref<128xi32, #tpu.memory_space<hbm>>
    %dma_wait3A_53 = arith.constant 0 : i32
    %dma_wait3A_54 = tpu.memref_slice %arg3[%dma_wait3A_53] : memref<320000xi32, #tpu.memory_space<hbm>> -> memref<128xi32, #tpu.memory_space<hbm>>
    tpu.wait_dma2 semaphore(%arg18 : memref<!tpu.dma_semaphore, #tpu.memory_space<semaphore_mem>>) src(%dma_wait3A_54 : memref<128xi32, #tpu.memory_space<hbm>>) dst(%arg11 : memref<128xi32, #tpu.memory_space<vmem>>)
    %dma_start3A_55 = arith.constant 0 : i32
    %dma_start3A_56 = arith.constant 0 : i32
    %dma_start3A_57 = tpu.memref_slice %arg4[%dma_start3A_55, %dma_start3A_56] : memref<10000x128xf32, #tpu.memory_space<hbm>> -> memref<10000x128xf32, #tpu.memory_space<hbm>>
    tpu.enqueue_indirect_dma source(%dma_start3A_57 : memref<10000x128xf32, #tpu.memory_space<hbm>>) target(%arg14 : memref<128x128xf32, #tpu.memory_space<vmem>>) offsets(%arg8 : memref<128xi32, #tpu.memory_space<vmem>>) semaphore(%arg21 : memref<!tpu.dma_semaphore, #tpu.memory_space<semaphore_mem>>)
    %broadcast_in_dim3A = arith.constant 0.000000e+00 : f32
    %broadcast_in_dim3A_58 = vector.broadcast %broadcast_in_dim3A : f32 to vector<16xf32>
    %scan3A = arith.constant 0 : i32
    %scan3A_59 = arith.constant 0 : i32
    %scan3A_60 = arith.constant 16 : i32
    %scan3A_61 = arith.addi %scan3A_59, %scan3A_60 : i32
    %scan3A_62 = arith.constant 1 : i32
    scf.for %scan3A_109 = %scan3A_59 to %scan3A_61 step %scan3A_62  : i32 {
      %swap3A = arith.index_cast %scan3A_109 : i32 to index
      %swap3A_110 = arith.constant 0 : index
      %swap3A_111 = tpu.vector_load %arg15[%swap3A, %swap3A_110] {strides = array<i32>} : memref<128x128xf32, #tpu.memory_space<vmem>>, vector<1x16xf32>,
      %swap3A_112 = vector.shape_cast %swap3A_111 : vector<1x16xf32> to vector<16xf32>
      %swap3A_113 = vector.shape_cast %broadcast_in_dim3A_58 : vector<16xf32> to vector<1x16xf32>
      tpu.vector_store %arg15[%swap3A, %swap3A_110], %swap3A_113 {strides = array<i32>} : memref<128x128xf32, #tpu.memory_space<vmem>>, vector<1x16xf32>,
      %swap3A_114 = arith.index_cast %scan3A_109 : i32 to index
      %swap3A_115 = arith.constant 16 : index
      %swap3A_116 = tpu.vector_load %arg15[%swap3A_114, %swap3A_115] {strides = array<i32>} : memref<128x128xf32, #tpu.memory_space<vmem>>, vector<1x16xf32>,
      %swap3A_117 = vector.shape_cast %swap3A_116 : vector<1x16xf32> to vector<16xf32>
      %swap3A_118 = vector.shape_cast %broadcast_in_dim3A_58 : vector<16xf32> to vector<1x16xf32>
      tpu.vector_store %arg15[%swap3A_114, %swap3A_115], %swap3A_118 {strides = array<i32>} : memref<128x128xf32, #tpu.memory_space<vmem>>, vector<1x16xf32>,
      %swap3A_119 = arith.index_cast %scan3A_109 : i32 to index
      %swap3A_120 = arith.constant 32 : index
      %swap3A_121 = tpu.vector_load %arg15[%swap3A_119, %swap3A_120] {strides = array<i32>} : memref<128x128xf32, #tpu.memory_space<vmem>>, vector<1x16xf32>,
      %swap3A_122 = vector.shape_cast %swap3A_121 : vector<1x16xf32> to vector<16xf32>
      %swap3A_123 = vector.shape_cast %broadcast_in_dim3A_58 : vector<16xf32> to vector<1x16xf32>
      tpu.vector_store %arg15[%swap3A_119, %swap3A_120], %swap3A_123 {strides = array<i32>} : memref<128x128xf32, #tpu.memory_space<vmem>>, vector<1x16xf32>,
      %swap3A_124 = arith.index_cast %scan3A_109 : i32 to index
      %swap3A_125 = arith.constant 48 : index
      %swap3A_126 = tpu.vector_load %arg15[%swap3A_124, %swap3A_125] {strides = array<i32>} : memref<128x128xf32, #tpu.memory_space<vmem>>, vector<1x16xf32>,
      %swap3A_127 = vector.shape_cast %swap3A_126 : vector<1x16xf32> to vector<16xf32>
      %swap3A_128 = vector.shape_cast %broadcast_in_dim3A_58 : vector<16xf32> to vector<1x16xf32>
      tpu.vector_store %arg15[%swap3A_124, %swap3A_125], %swap3A_128 {strides = array<i32>} : memref<128x128xf32, #tpu.memory_space<vmem>>, vector<1x16xf32>,
      %swap3A_129 = arith.index_cast %scan3A_109 : i32 to index
      %swap3A_130 = arith.constant 64 : index
      %swap3A_131 = tpu.vector_load %arg15[%swap3A_129, %swap3A_130] {strides = array<i32>} : memref<128x128xf32, #tpu.memory_space<vmem>>, vector<1x16xf32>,
      %swap3A_132 = vector.shape_cast %swap3A_131 : vector<1x16xf32> to vector<16xf32>
      %swap3A_133 = vector.shape_cast %broadcast_in_dim3A_58 : vector<16xf32> to vector<1x16xf32>
      tpu.vector_store %arg15[%swap3A_129, %swap3A_130], %swap3A_133 {strides = array<i32>} : memref<128x128xf32, #tpu.memory_space<vmem>>, vector<1x16xf32>,
      %swap3A_134 = arith.index_cast %scan3A_109 : i32 to index
      %swap3A_135 = arith.constant 80 : index
      %swap3A_136 = tpu.vector_load %arg15[%swap3A_134, %swap3A_135] {strides = array<i32>} : memref<128x128xf32, #tpu.memory_space<vmem>>, vector<1x16xf32>,
      %swap3A_137 = vector.shape_cast %swap3A_136 : vector<1x16xf32> to vector<16xf32>
      %swap3A_138 = vector.shape_cast %broadcast_in_dim3A_58 : vector<16xf32> to vector<1x16xf32>
      tpu.vector_store %arg15[%swap3A_134, %swap3A_135], %swap3A_138 {strides = array<i32>} : memref<128x128xf32, #tpu.memory_space<vmem>>, vector<1x16xf32>,
      %swap3A_139 = arith.index_cast %scan3A_109 : i32 to index
      %swap3A_140 = arith.constant 96 : index
      %swap3A_141 = tpu.vector_load %arg15[%swap3A_139, %swap3A_140] {strides = array<i32>} : memref<128x128xf32, #tpu.memory_space<vmem>>, vector<1x16xf32>,
      %swap3A_142 = vector.shape_cast %swap3A_141 : vector<1x16xf32> to vector<16xf32>
      %swap3A_143 = vector.shape_cast %broadcast_in_dim3A_58 : vector<16xf32> to vector<1x16xf32>
      tpu.vector_store %arg15[%swap3A_139, %swap3A_140], %swap3A_143 {strides = array<i32>} : memref<128x128xf32, #tpu.memory_space<vmem>>, vector<1x16xf32>,
      %swap3A_144 = arith.index_cast %scan3A_109 : i32 to index
      %swap3A_145 = arith.constant 112 : index
      %swap3A_146 = tpu.vector_load %arg15[%swap3A_144, %swap3A_145] {strides = array<i32>} : memref<128x128xf32, #tpu.memory_space<vmem>>, vector<1x16xf32>,
      %swap3A_147 = vector.shape_cast %swap3A_146 : vector<1x16xf32> to vector<16xf32>
      %swap3A_148 = vector.shape_cast %broadcast_in_dim3A_58 : vector<16xf32> to vector<1x16xf32>
      tpu.vector_store %arg15[%swap3A_144, %swap3A_145], %swap3A_148 {strides = array<i32>} : memref<128x128xf32, #tpu.memory_space<vmem>>, vector<1x16xf32>,
    }
    %scan3A_63 = arith.constant 16 : i32
    %mul3A_64 = arith.constant 624 : i32
    %mul3A_65 = arith.muli %arg1, %mul3A_64 : i32
    %multiple_of3A_66 = tpu.assume_multiple %mul3A_65, 8 : i32
    %scan3A_67 = arith.constant 0 : i32
    %scan3A_68 = arith.constant 0 : i32
    %scan3A_69 = arith.constant 39 : i32
    %scan3A_70 = arith.addi %scan3A_68, %scan3A_69 : i32
    %scan3A_71 = arith.constant 1 : i32
    scf.for %scan3A_109 = %scan3A_68 to %scan3A_70 step %scan3A_71  : i32 {
      %mul3A_110 = arith.constant 16 : i32
      %mul3A_111 = arith.muli %scan3A_109, %mul3A_110 : i32
      %add3A_112 = arith.addi %multiple_of3A_66, %mul3A_111 : i32
      %multiple_of3A_113 = tpu.assume_multiple %add3A_112, 8 : i32
      "tpu.region"() ({
        %run_scoped3A = tpu.sem_alloc : memref<!tpu.dma_semaphore, #tpu.memory_space<semaphore_mem>>
        %dma_start3A_114 = arith.constant 0 : i32
        %dma_start3A_115 = arith.constant 0 : i32
        %dma_start3A_116 = tpu.memref_slice %arg15[%dma_start3A_114, %dma_start3A_115] : memref<128x128xf32, #tpu.memory_space<vmem>> -> memref<16x128xf32, #tpu.memory_space<vmem>>
        %dma_start3A_117 = arith.constant 0 : i32
        %dma_start3A_118 = tpu.memref_slice %arg16[%multiple_of3A_113, %dma_start3A_117] : memref<10000x128xf32, #tpu.memory_space<vmem_shared>> -> memref<16x128xf32, #tpu.memory_space<vmem_shared>>
        %dma_start3A_119 = arith.constant 0 : i32
        %dma_start3A_120 = tpu.memref_slice %arg16[%multiple_of3A_113, %dma_start3A_119] : memref<10000x128xf32, #tpu.memory_space<vmem_shared>> -> memref<16x128xf32, #tpu.memory_space<vmem_shared>>
        %dma_start3A_121 = arith.constant 0 : i32
        %dma_start3A_122 = arith.constant 0 : i32
        %dma_start3A_123 = tpu.memref_slice %arg15[%dma_start3A_121, %dma_start3A_122] : memref<128x128xf32, #tpu.memory_space<vmem>> -> memref<16x128xf32, #tpu.memory_space<vmem>>
        tpu.enqueue_dma source(%dma_start3A_123 : memref<16x128xf32, #tpu.memory_space<vmem>>) target(%dma_start3A_120 : memref<16x128xf32, #tpu.memory_space<vmem_shared>>) target_semaphore(%run_scoped3A : memref<!tpu.dma_semaphore, #tpu.memory_space<semaphore_mem>>)
        %dma_wait3A_124 = arith.constant 0 : i32
        %dma_wait3A_125 = arith.constant 0 : i32
        %dma_wait3A_126 = tpu.memref_slice %arg15[%dma_wait3A_124, %dma_wait3A_125] : memref<128x128xf32, #tpu.memory_space<vmem>> -> memref<16x128xf32, #tpu.memory_space<vmem>>
        %dma_wait3A_127 = arith.constant 0 : i32
        %dma_wait3A_128 = tpu.memref_slice %arg16[%multiple_of3A_113, %dma_wait3A_127] : memref<10000x128xf32, #tpu.memory_space<vmem_shared>> -> memref<16x128xf32, #tpu.memory_space<vmem_shared>>
        %dma_wait3A_129 = arith.constant 0 : i32
        %dma_wait3A_130 = tpu.memref_slice %arg16[%multiple_of3A_113, %dma_wait3A_129] : memref<10000x128xf32, #tpu.memory_space<vmem_shared>> -> memref<16x128xf32, #tpu.memory_space<vmem_shared>>
        %dma_wait3A_131 = arith.constant 0 : i32
        %dma_wait3A_132 = arith.constant 0 : i32
        %dma_wait3A_133 = tpu.memref_slice %arg15[%dma_wait3A_131, %dma_wait3A_132] : memref<128x128xf32, #tpu.memory_space<vmem>> -> memref<16x128xf32, #tpu.memory_space<vmem>>
        tpu.wait_dma2 semaphore(%run_scoped3A : memref<!tpu.dma_semaphore, #tpu.memory_space<semaphore_mem>>) src(%dma_wait3A_133 : memref<16x128xf32, #tpu.memory_space<vmem>>) dst(%dma_wait3A_130 : memref<16x128xf32, #tpu.memory_space<vmem_shared>>)
        tpu.yield
      }) : () -> ()
    }
    %scan3A_72 = arith.constant 39 : i32
    %eq3A = arith.constant 15 : i32
    %eq3A_73 = arith.cmpi eq, %arg1, %eq3A : i32
    %convert_element_type3A = arith.extui %eq3A_73 : i1 to i32
    %cond3A = arith.constant 0 : i32
    %cond3A_74 = arith.cmpi ne, %convert_element_type3A, %cond3A : i32
    scf.if %cond3A_74 {
      "tpu.region"() ({
        %run_scoped3A = tpu.sem_alloc : memref<!tpu.dma_semaphore, #tpu.memory_space<semaphore_mem>>
        %dma_start3A_109 = arith.constant 0 : i32
        %dma_start3A_110 = arith.constant 0 : i32
        %dma_start3A_111 = tpu.memref_slice %arg15[%dma_start3A_109, %dma_start3A_110] : memref<128x128xf32, #tpu.memory_space<vmem>> -> memref<16x128xf32, #tpu.memory_space<vmem>>
        %dma_start3A_112 = arith.constant 9984 : i32
        %dma_start3A_113 = arith.constant 0 : i32
        %dma_start3A_114 = tpu.memref_slice %arg16[%dma_start3A_112, %dma_start3A_113] : memref<10000x128xf32, #tpu.memory_space<vmem_shared>> -> memref<16x128xf32, #tpu.memory_space<vmem_shared>>
        %dma_start3A_115 = arith.constant 9984 : i32
        %dma_start3A_116 = arith.constant 0 : i32
        %dma_start3A_117 = tpu.memref_slice %arg16[%dma_start3A_115, %dma_start3A_116] : memref<10000x128xf32, #tpu.memory_space<vmem_shared>> -> memref<16x128xf32, #tpu.memory_space<vmem_shared>>
        %dma_start3A_118 = arith.constant 0 : i32
        %dma_start3A_119 = arith.constant 0 : i32
        %dma_start3A_120 = tpu.memref_slice %arg15[%dma_start3A_118, %dma_start3A_119] : memref<128x128xf32, #tpu.memory_space<vmem>> -> memref<16x128xf32, #tpu.memory_space<vmem>>
        tpu.enqueue_dma source(%dma_start3A_120 : memref<16x128xf32, #tpu.memory_space<vmem>>) target(%dma_start3A_117 : memref<16x128xf32, #tpu.memory_space<vmem_shared>>) target_semaphore(%run_scoped3A : memref<!tpu.dma_semaphore, #tpu.memory_space<semaphore_mem>>)
        %dma_wait3A_121 = arith.constant 0 : i32
        %dma_wait3A_122 = arith.constant 0 : i32
        %dma_wait3A_123 = tpu.memref_slice %arg15[%dma_wait3A_121, %dma_wait3A_122] : memref<128x128xf32, #tpu.memory_space<vmem>> -> memref<16x128xf32, #tpu.memory_space<vmem>>
        %dma_wait3A_124 = arith.constant 9984 : i32
        %dma_wait3A_125 = arith.constant 0 : i32
        %dma_wait3A_126 = tpu.memref_slice %arg16[%dma_wait3A_124, %dma_wait3A_125] : memref<10000x128xf32, #tpu.memory_space<vmem_shared>> -> memref<16x128xf32, #tpu.memory_space<vmem_shared>>
        %dma_wait3A_127 = arith.constant 9984 : i32
        %dma_wait3A_128 = arith.constant 0 : i32
        %dma_wait3A_129 = tpu.memref_slice %arg16[%dma_wait3A_127, %dma_wait3A_128] : memref<10000x128xf32, #tpu.memory_space<vmem_shared>> -> memref<16x128xf32, #tpu.memory_space<vmem_shared>>
        %dma_wait3A_130 = arith.constant 0 : i32
        %dma_wait3A_131 = arith.constant 0 : i32
        %dma_wait3A_132 = tpu.memref_slice %arg15[%dma_wait3A_130, %dma_wait3A_131] : memref<128x128xf32, #tpu.memory_space<vmem>> -> memref<16x128xf32, #tpu.memory_space<vmem>>
        tpu.wait_dma2 semaphore(%run_scoped3A : memref<!tpu.dma_semaphore, #tpu.memory_space<semaphore_mem>>) src(%dma_wait3A_132 : memref<16x128xf32, #tpu.memory_space<vmem>>) dst(%dma_wait3A_129 : memref<16x128xf32, #tpu.memory_space<vmem_shared>>)
        tpu.yield
      }) : () -> ()
    } else {
    }
    %barrier3A = arith.constant 0 : index
    tpu.barrier barrier_id(%barrier3A)
    %scan3A_75 = arith.constant 0 : i32
    %scan3A_76 = arith.constant 0 : i32
    %scan3A_77 = arith.constant 26 : i32
    %scan3A_78 = arith.addi %scan3A_76, %scan3A_77 : i32
    %scan3A_79 = arith.constant 1 : i32
    scf.for %scan3A_109 = %scan3A_76 to %scan3A_78 step %scan3A_79  : i32 {
      %mul3A_110 = arith.constant 3 : i32
      %mul3A_111 = arith.muli %mul3A_110, %scan3A_109 : i32
      %dma_wait3A_112 = arith.constant 0 : i32
      %dma_wait3A_113 = arith.constant 0 : i32
      %dma_wait3A_114 = tpu.memref_slice %arg4[%dma_wait3A_112, %dma_wait3A_113] : memref<10000x128xf32, #tpu.memory_space<hbm>> -> memref<10000x128xf32, #tpu.memory_space<hbm>>
      tpu.wait_indirect_dma semaphore(%arg20 : memref<!tpu.dma_semaphore, #tpu.memory_space<semaphore_mem>>) src(%dma_wait3A_114 : memref<10000x128xf32, #tpu.memory_space<hbm>>) dst(%arg13 : memref<128x128xf32, #tpu.memory_space<vmem>>)
      %dma_wait3A_115 = arith.constant 0 : i32
      %dma_wait3A_116 = tpu.memref_slice %arg2[%dma_wait3A_115] : memref<320000xi32, #tpu.memory_space<hbm>> -> memref<128xi32, #tpu.memory_space<hbm>>
      %dma_wait3A_117 = arith.constant 0 : i32
      %dma_wait3A_118 = tpu.memref_slice %arg2[%dma_wait3A_117] : memref<320000xi32, #tpu.memory_space<hbm>> -> memref<128xi32, #tpu.memory_space<hbm>>
      tpu.wait_dma2 semaphore(%arg19 : memref<!tpu.dma_semaphore, #tpu.memory_space<semaphore_mem>>) src(%dma_wait3A_118 : memref<128xi32, #tpu.memory_space<hbm>>) dst(%arg9 : memref<128xi32, #tpu.memory_space<vmem>>)
      %dma_wait3A_119 = arith.constant 0 : i32
      %dma_wait3A_120 = tpu.memref_slice %arg3[%dma_wait3A_119] : memref<320000xi32, #tpu.memory_space<hbm>> -> memref<128xi32, #tpu.memory_space<hbm>>
      %dma_wait3A_121 = arith.constant 0 : i32
      %dma_wait3A_122 = tpu.memref_slice %arg3[%dma_wait3A_121] : memref<320000xi32, #tpu.memory_space<hbm>> -> memref<128xi32, #tpu.memory_space<hbm>>
      tpu.wait_dma2 semaphore(%arg19 : memref<!tpu.dma_semaphore, #tpu.memory_space<semaphore_mem>>) src(%dma_wait3A_122 : memref<128xi32, #tpu.memory_space<hbm>>) dst(%arg12 : memref<128xi32, #tpu.memory_space<vmem>>)
      %dma_start3A_123 = arith.constant 0 : i32
      %dma_start3A_124 = arith.constant 0 : i32
      %dma_start3A_125 = tpu.memref_slice %arg4[%dma_start3A_123, %dma_start3A_124] : memref<10000x128xf32, #tpu.memory_space<hbm>> -> memref<10000x128xf32, #tpu.memory_space<hbm>>
      tpu.enqueue_indirect_dma source(%dma_start3A_125 : memref<10000x128xf32, #tpu.memory_space<hbm>>) target(%arg15 : memref<128x128xf32, #tpu.memory_space<vmem>>) offsets(%arg9 : memref<128xi32, #tpu.memory_space<vmem>>) semaphore(%arg22 : memref<!tpu.dma_semaphore, #tpu.memory_space<semaphore_mem>>)
      "tpu.region"() ({
        %run_scoped3A = tpu.sem_alloc : memref<!tpu.dma_semaphore, #tpu.memory_space<semaphore_mem>>
        %dma_start3A_196 = arith.constant 0 : i32
        %dma_start3A_197 = arith.constant 0 : i32
        %dma_start3A_198 = tpu.memref_slice %arg16[%dma_start3A_196, %dma_start3A_197] : memref<10000x128xf32, #tpu.memory_space<vmem_shared>> -> memref<10000x128xf32, #tpu.memory_space<vmem_shared>>
        tpu.enqueue_indirect_dma source(%arg13 : memref<128x128xf32, #tpu.memory_space<vmem>>) target(%dma_start3A_198 : memref<10000x128xf32, #tpu.memory_space<vmem_shared>>) offsets(%arg10 : memref<128xi32, #tpu.memory_space<vmem>>) semaphore(%run_scoped3A : memref<!tpu.dma_semaphore, #tpu.memory_space<semaphore_mem>>) {add = true}
        %dma_wait3A_199 = arith.constant 0 : i32
        %dma_wait3A_200 = arith.constant 0 : i32
        %dma_wait3A_201 = tpu.memref_slice %arg16[%dma_wait3A_199, %dma_wait3A_200] : memref<10000x128xf32, #tpu.memory_space<vmem_shared>> -> memref<10000x128xf32, #tpu.memory_space<vmem_shared>>
        tpu.wait_indirect_dma semaphore(%run_scoped3A : memref<!tpu.dma_semaphore, #tpu.memory_space<semaphore_mem>>) src(%arg13 : memref<128x128xf32, #tpu.memory_space<vmem>>) dst(%dma_wait3A_201 : memref<10000x128xf32, #tpu.memory_space<vmem_shared>>)
        tpu.yield
      }) : () -> ()
      %add3A_126 = arith.constant 0 : i32
      %add3A_127 = arith.addi %mul3A_111, %add3A_126 : i32
      %add3A_128 = arith.constant 3 : i32
      %add3A_129 = arith.addi %add3A_127, %add3A_128 : i32
      %add3A_130 = arith.addi %add3A_4, %add3A_129 : i32
      %min3A_131 = arith.constant 2499 : i32
      %min3A_132 = arith.minsi %add3A_130, %min3A_131 : i32
      %mul3A_133 = arith.constant 128 : i32
      %mul3A_134 = arith.muli %min3A_132, %mul3A_133 : i32
      %multiple_of3A_135 = tpu.assume_multiple %mul3A_134, 128 : i32
      %dma_start3A_136 = tpu.memref_slice %arg2[%multiple_of3A_135] : memref<320000xi32, #tpu.memory_space<hbm>> -> memref<128xi32, #tpu.memory_space<hbm>>
      %dma_start3A_137 = tpu.memref_slice %arg2[%multiple_of3A_135] : memref<320000xi32, #tpu.memory_space<hbm>> -> memref<128xi32, #tpu.memory_space<hbm>>
      tpu.enqueue_dma source(%dma_start3A_137 : memref<128xi32, #tpu.memory_space<hbm>>) target(%arg7 : memref<128xi32, #tpu.memory_space<vmem>>) target_semaphore(%arg17 : memref<!tpu.dma_semaphore, #tpu.memory_space<semaphore_mem>>)
      %dma_start3A_138 = tpu.memref_slice %arg3[%multiple_of3A_135] : memref<320000xi32, #tpu.memory_space<hbm>> -> memref<128xi32, #tpu.memory_space<hbm>>
      %dma_start3A_139 = tpu.memref_slice %arg3[%multiple_of3A_135] : memref<320000xi32, #tpu.memory_space<hbm>> -> memref<128xi32, #tpu.memory_space<hbm>>
      tpu.enqueue_dma source(%dma_start3A_139 : memref<128xi32, #tpu.memory_space<hbm>>) target(%arg10 : memref<128xi32, #tpu.memory_space<vmem>>) target_semaphore(%arg17 : memref<!tpu.dma_semaphore, #tpu.memory_space<semaphore_mem>>)
      %dma_wait3A_140 = arith.constant 0 : i32
      %dma_wait3A_141 = arith.constant 0 : i32
      %dma_wait3A_142 = tpu.memref_slice %arg4[%dma_wait3A_140, %dma_wait3A_141] : memref<10000x128xf32, #tpu.memory_space<hbm>> -> memref<10000x128xf32, #tpu.memory_space<hbm>>
      tpu.wait_indirect_dma semaphore(%arg21 : memref<!tpu.dma_semaphore, #tpu.memory_space<semaphore_mem>>) src(%dma_wait3A_142 : memref<10000x128xf32, #tpu.memory_space<hbm>>) dst(%arg14 : memref<128x128xf32, #tpu.memory_space<vmem>>)
      %dma_wait3A_143 = arith.constant 0 : i32
      %dma_wait3A_144 = tpu.memref_slice %arg2[%dma_wait3A_143] : memref<320000xi32, #tpu.memory_space<hbm>> -> memref<128xi32, #tpu.memory_space<hbm>>
      %dma_wait3A_145 = arith.constant 0 : i32
      %dma_wait3A_146 = tpu.memref_slice %arg2[%dma_wait3A_145] : memref<320000xi32, #tpu.memory_space<hbm>> -> memref<128xi32, #tpu.memory_space<hbm>>
      tpu.wait_dma2 semaphore(%arg17 : memref<!tpu.dma_semaphore, #tpu.memory_space<semaphore_mem>>) src(%dma_wait3A_146 : memref<128xi32, #tpu.memory_space<hbm>>) dst(%arg7 : memref<128xi32, #tpu.memory_space<vmem>>)
      %dma_wait3A_147 = arith.constant 0 : i32
      %dma_wait3A_148 = tpu.memref_slice %arg3[%dma_wait3A_147] : memref<320000xi32, #tpu.memory_space<hbm>> -> memref<128xi32, #tpu.memory_space<hbm>>
      %dma_wait3A_149 = arith.constant 0 : i32
      %dma_wait3A_150 = tpu.memref_slice %arg3[%dma_wait3A_149] : memref<320000xi32, #tpu.memory_space<hbm>> -> memref<128xi32, #tpu.memory_space<hbm>>
      tpu.wait_dma2 semaphore(%arg17 : memref<!tpu.dma_semaphore, #tpu.memory_space<semaphore_mem>>) src(%dma_wait3A_150 : memref<128xi32, #tpu.memory_space<hbm>>) dst(%arg10 : memref<128xi32, #tpu.memory_space<vmem>>)
      %dma_start3A_151 = arith.constant 0 : i32
      %dma_start3A_152 = arith.constant 0 : i32
      %dma_start3A_153 = tpu.memref_slice %arg4[%dma_start3A_151, %dma_start3A_152] : memref<10000x128xf32, #tpu.memory_space<hbm>> -> memref<10000x128xf32, #tpu.memory_space<hbm>>
      tpu.enqueue_indirect_dma source(%dma_start3A_153 : memref<10000x128xf32, #tpu.memory_space<hbm>>) target(%arg13 : memref<128x128xf32, #tpu.memory_space<vmem>>) offsets(%arg7 : memref<128xi32, #tpu.memory_space<vmem>>) semaphore(%arg20 : memref<!tpu.dma_semaphore, #tpu.memory_space<semaphore_mem>>)
      "tpu.region"() ({
        %run_scoped3A = tpu.sem_alloc : memref<!tpu.dma_semaphore, #tpu.memory_space<semaphore_mem>>
        %dma_start3A_196 = arith.constant 0 : i32
        %dma_start3A_197 = arith.constant 0 : i32
        %dma_start3A_198 = tpu.memref_slice %arg16[%dma_start3A_196, %dma_start3A_197] : memref<10000x128xf32, #tpu.memory_space<vmem_shared>> -> memref<10000x128xf32, #tpu.memory_space<vmem_shared>>
        tpu.enqueue_indirect_dma source(%arg14 : memref<128x128xf32, #tpu.memory_space<vmem>>) target(%dma_start3A_198 : memref<10000x128xf32, #tpu.memory_space<vmem_shared>>) offsets(%arg11 : memref<128xi32, #tpu.memory_space<vmem>>) semaphore(%run_scoped3A : memref<!tpu.dma_semaphore, #tpu.memory_space<semaphore_mem>>) {add = true}
        %dma_wait3A_199 = arith.constant 0 : i32
        %dma_wait3A_200 = arith.constant 0 : i32
        %dma_wait3A_201 = tpu.memref_slice %arg16[%dma_wait3A_199, %dma_wait3A_200] : memref<10000x128xf32, #tpu.memory_space<vmem_shared>> -> memref<10000x128xf32, #tpu.memory_space<vmem_shared>>
        tpu.wait_indirect_dma semaphore(%run_scoped3A : memref<!tpu.dma_semaphore, #tpu.memory_space<semaphore_mem>>) src(%arg14 : memref<128x128xf32, #tpu.memory_space<vmem>>) dst(%dma_wait3A_201 : memref<10000x128xf32, #tpu.memory_space<vmem_shared>>)
        tpu.yield
      }) : () -> ()
      %add3A_154 = arith.constant 1 : i32
      %add3A_155 = arith.addi %mul3A_111, %add3A_154 : i32
      %add3A_156 = arith.constant 3 : i32
      %add3A_157 = arith.addi %add3A_155, %add3A_156 : i32
      %add3A_158 = arith.addi %add3A_4, %add3A_157 : i32
      %min3A_159 = arith.constant 2499 : i32
      %min3A_160 = arith.minsi %add3A_158, %min3A_159 : i32
      %mul3A_161 = arith.constant 128 : i32
      %mul3A_162 = arith.muli %min3A_160, %mul3A_161 : i32
      %multiple_of3A_163 = tpu.assume_multiple %mul3A_162, 128 : i32
      %dma_start3A_164 = tpu.memref_slice %arg2[%multiple_of3A_163] : memref<320000xi32, #tpu.memory_space<hbm>> -> memref<128xi32, #tpu.memory_space<hbm>>
      %dma_start3A_165 = tpu.memref_slice %arg2[%multiple_of3A_163] : memref<320000xi32, #tpu.memory_space<hbm>> -> memref<128xi32, #tpu.memory_space<hbm>>
      tpu.enqueue_dma source(%dma_start3A_165 : memref<128xi32, #tpu.memory_space<hbm>>) target(%arg8 : memref<128xi32, #tpu.memory_space<vmem>>) target_semaphore(%arg18 : memref<!tpu.dma_semaphore, #tpu.memory_space<semaphore_mem>>)
      %dma_start3A_166 = tpu.memref_slice %arg3[%multiple_of3A_163] : memref<320000xi32, #tpu.memory_space<hbm>> -> memref<128xi32, #tpu.memory_space<hbm>>
      %dma_start3A_167 = tpu.memref_slice %arg3[%multiple_of3A_163] : memref<320000xi32, #tpu.memory_space<hbm>> -> memref<128xi32, #tpu.memory_space<hbm>>
      tpu.enqueue_dma source(%dma_start3A_167 : memref<128xi32, #tpu.memory_space<hbm>>) target(%arg11 : memref<128xi32, #tpu.memory_space<vmem>>) target_semaphore(%arg18 : memref<!tpu.dma_semaphore, #tpu.memory_space<semaphore_mem>>)
      %dma_wait3A_168 = arith.constant 0 : i32
      %dma_wait3A_169 = arith.constant 0 : i32
      %dma_wait3A_170 = tpu.memref_slice %arg4[%dma_wait3A_168, %dma_wait3A_169] : memref<10000x128xf32, #tpu.memory_space<hbm>> -> memref<10000x128xf32, #tpu.memory_space<hbm>>
      tpu.wait_indirect_dma semaphore(%arg22 : memref<!tpu.dma_semaphore, #tpu.memory_space<semaphore_mem>>) src(%dma_wait3A_170 : memref<10000x128xf32, #tpu.memory_space<hbm>>) dst(%arg15 : memref<128x128xf32, #tpu.memory_space<vmem>>)
      %dma_wait3A_171 = arith.constant 0 : i32
      %dma_wait3A_172 = tpu.memref_slice %arg2[%dma_wait3A_171] : memref<320000xi32, #tpu.memory_space<hbm>> -> memref<128xi32, #tpu.memory_space<hbm>>
      %dma_wait3A_173 = arith.constant 0 : i32
      %dma_wait3A_174 = tpu.memref_slice %arg2[%dma_wait3A_173] : memref<320000xi32, #tpu.memory_space<hbm>> -> memref<128xi32, #tpu.memory_space<hbm>>
      tpu.wait_dma2 semaphore(%arg18 : memref<!tpu.dma_semaphore, #tpu.memory_space<semaphore_mem>>) src(%dma_wait3A_174 : memref<128xi32, #tpu.memory_space<hbm>>) dst(%arg8 : memref<128xi32, #tpu.memory_space<vmem>>)
      %dma_wait3A_175 = arith.constant 0 : i32
      %dma_wait3A_176 = tpu.memref_slice %arg3[%dma_wait3A_175] : memref<320000xi32, #tpu.memory_space<hbm>> -> memref<128xi32, #tpu.memory_space<hbm>>
      %dma_wait3A_177 = arith.constant 0 : i32
      %dma_wait3A_178 = tpu.memref_slice %arg3[%dma_wait3A_177] : memref<320000xi32, #tpu.memory_space<hbm>> -> memref<128xi32, #tpu.memory_space<hbm>>
      tpu.wait_dma2 semaphore(%arg18 : memref<!tpu.dma_semaphore, #tpu.memory_space<semaphore_mem>>) src(%dma_wait3A_178 : memref<128xi32, #tpu.memory_space<hbm>>) dst(%arg11 : memref<128xi32, #tpu.memory_space<vmem>>)
      %dma_start3A_179 = arith.constant 0 : i32
      %dma_start3A_180 = arith.constant 0 : i32
      %dma_start3A_181 = tpu.memref_slice %arg4[%dma_start3A_179, %dma_start3A_180] : memref<10000x128xf32, #tpu.memory_space<hbm>> -> memref<10000x128xf32, #tpu.memory_space<hbm>>
      tpu.enqueue_indirect_dma source(%dma_start3A_181 : memref<10000x128xf32, #tpu.memory_space<hbm>>) target(%arg14 : memref<128x128xf32, #tpu.memory_space<vmem>>) offsets(%arg8 : memref<128xi32, #tpu.memory_space<vmem>>) semaphore(%arg21 : memref<!tpu.dma_semaphore, #tpu.memory_space<semaphore_mem>>)
      "tpu.region"() ({
        %run_scoped3A = tpu.sem_alloc : memref<!tpu.dma_semaphore, #tpu.memory_space<semaphore_mem>>
        %dma_start3A_196 = arith.constant 0 : i32
        %dma_start3A_197 = arith.constant 0 : i32
        %dma_start3A_198 = tpu.memref_slice %arg16[%dma_start3A_196, %dma_start3A_197] : memref<10000x128xf32, #tpu.memory_space<vmem_shared>> -> memref<10000x128xf32, #tpu.memory_space<vmem_shared>>
        tpu.enqueue_indirect_dma source(%arg15 : memref<128x128xf32, #tpu.memory_space<vmem>>) target(%dma_start3A_198 : memref<10000x128xf32, #tpu.memory_space<vmem_shared>>) offsets(%arg12 : memref<128xi32, #tpu.memory_space<vmem>>) semaphore(%run_scoped3A : memref<!tpu.dma_semaphore, #tpu.memory_space<semaphore_mem>>) {add = true}
        %dma_wait3A_199 = arith.constant 0 : i32
        %dma_wait3A_200 = arith.constant 0 : i32
        %dma_wait3A_201 = tpu.memref_slice %arg16[%dma_wait3A_199, %dma_wait3A_200] : memref<10000x128xf32, #tpu.memory_space<vmem_shared>> -> memref<10000x128xf32, #tpu.memory_space<vmem_shared>>
        tpu.wait_indirect_dma semaphore(%run_scoped3A : memref<!tpu.dma_semaphore, #tpu.memory_space<semaphore_mem>>) src(%arg15 : memref<128x128xf32, #tpu.memory_space<vmem>>) dst(%dma_wait3A_201 : memref<10000x128xf32, #tpu.memory_space<vmem_shared>>)
        tpu.yield
      }) : () -> ()
      %add3A_182 = arith.constant 2 : i32
      %add3A_183 = arith.addi %mul3A_111, %add3A_182 : i32
      %add3A_184 = arith.constant 3 : i32
      %add3A_185 = arith.addi %add3A_183, %add3A_184 : i32
      %add3A_186 = arith.addi %add3A_4, %add3A_185 : i32
      %min3A_187 = arith.constant 2499 : i32
      %min3A_188 = arith.minsi %add3A_186, %min3A_187 : i32
      %mul3A_189 = arith.constant 128 : i32
      %mul3A_190 = arith.muli %min3A_188, %mul3A_189 : i32
      %multiple_of3A_191 = tpu.assume_multiple %mul3A_190, 128 : i32
      %dma_start3A_192 = tpu.memref_slice %arg2[%multiple_of3A_191] : memref<320000xi32, #tpu.memory_space<hbm>> -> memref<128xi32, #tpu.memory_space<hbm>>
      %dma_start3A_193 = tpu.memref_slice %arg2[%multiple_of3A_191] : memref<320000xi32, #tpu.memory_space<hbm>> -> memref<128xi32, #tpu.memory_space<hbm>>
      tpu.enqueue_dma source(%dma_start3A_193 : memref<128xi32, #tpu.memory_space<hbm>>) target(%arg9 : memref<128xi32, #tpu.memory_space<vmem>>) target_semaphore(%arg19 : memref<!tpu.dma_semaphore, #tpu.memory_space<semaphore_mem>>)
      %dma_start3A_194 = tpu.memref_slice %arg3[%multiple_of3A_191] : memref<320000xi32, #tpu.memory_space<hbm>> -> memref<128xi32, #tpu.memory_space<hbm>>
      %dma_start3A_195 = tpu.memref_slice %arg3[%multiple_of3A_191] : memref<320000xi32, #tpu.memory_space<hbm>> -> memref<128xi32, #tpu.memory_space<hbm>>
      tpu.enqueue_dma source(%dma_start3A_195 : memref<128xi32, #tpu.memory_space<hbm>>) target(%arg12 : memref<128xi32, #tpu.memory_space<vmem>>) target_semaphore(%arg19 : memref<!tpu.dma_semaphore, #tpu.memory_space<semaphore_mem>>)
    }
    %scan3A_80 = arith.constant 26 : i32
    %dma_wait3A_81 = arith.constant 0 : i32
    %dma_wait3A_82 = arith.constant 0 : i32
    %dma_wait3A_83 = tpu.memref_slice %arg4[%dma_wait3A_81, %dma_wait3A_82] : memref<10000x128xf32, #tpu.memory_space<hbm>> -> memref<10000x128xf32, #tpu.memory_space<hbm>>
    tpu.wait_indirect_dma semaphore(%arg20 : memref<!tpu.dma_semaphore, #tpu.memory_space<semaphore_mem>>) src(%dma_wait3A_83 : memref<10000x128xf32, #tpu.memory_space<hbm>>) dst(%arg13 : memref<128x128xf32, #tpu.memory_space<vmem>>)
    %dma_wait3A_84 = arith.constant 0 : i32
    %dma_wait3A_85 = arith.constant 0 : i32
    %dma_wait3A_86 = tpu.memref_slice %arg4[%dma_wait3A_84, %dma_wait3A_85] : memref<10000x128xf32, #tpu.memory_space<hbm>> -> memref<10000x128xf32, #tpu.memory_space<hbm>>
    tpu.wait_indirect_dma semaphore(%arg21 : memref<!tpu.dma_semaphore, #tpu.memory_space<semaphore_mem>>) src(%dma_wait3A_86 : memref<10000x128xf32, #tpu.memory_space<hbm>>) dst(%arg14 : memref<128x128xf32, #tpu.memory_space<vmem>>)
    %dma_wait3A_87 = arith.constant 0 : i32
    %dma_wait3A_88 = tpu.memref_slice %arg2[%dma_wait3A_87] : memref<320000xi32, #tpu.memory_space<hbm>> -> memref<128xi32, #tpu.memory_space<hbm>>
    %dma_wait3A_89 = arith.constant 0 : i32
    %dma_wait3A_90 = tpu.memref_slice %arg2[%dma_wait3A_89] : memref<320000xi32, #tpu.memory_space<hbm>> -> memref<128xi32, #tpu.memory_space<hbm>>
    tpu.wait_dma2 semaphore(%arg19 : memref<!tpu.dma_semaphore, #tpu.memory_space<semaphore_mem>>) src(%dma_wait3A_90 : memref<128xi32, #tpu.memory_space<hbm>>) dst(%arg9 : memref<128xi32, #tpu.memory_space<vmem>>)
    %dma_wait3A_91 = arith.constant 0 : i32
    %dma_wait3A_92 = tpu.memref_slice %arg3[%dma_wait3A_91] : memref<320000xi32, #tpu.memory_space<hbm>> -> memref<128xi32, #tpu.memory_space<hbm>>
    %dma_wait3A_93 = arith.constant 0 : i32
    %dma_wait3A_94 = tpu.memref_slice %arg3[%dma_wait3A_93] : memref<320000xi32, #tpu.memory_space<hbm>> -> memref<128xi32, #tpu.memory_space<hbm>>
    tpu.wait_dma2 semaphore(%arg19 : memref<!tpu.dma_semaphore, #tpu.memory_space<semaphore_mem>>) src(%dma_wait3A_94 : memref<128xi32, #tpu.memory_space<hbm>>) dst(%arg12 : memref<128xi32, #tpu.memory_space<vmem>>)
    %convert_element_type3A_95 = arith.extui %lt3A_5 : i1 to i32
    %cond3A_96 = arith.constant 0 : i32
    %cond3A_97 = arith.cmpi ne, %convert_element_type3A_95, %cond3A_96 : i32
    scf.if %cond3A_97 {
      "tpu.region"() ({
        %run_scoped3A = tpu.sem_alloc : memref<!tpu.dma_semaphore, #tpu.memory_space<semaphore_mem>>
        %dma_start3A_109 = arith.constant 0 : i32
        %dma_start3A_110 = arith.constant 0 : i32
        %dma_start3A_111 = tpu.memref_slice %arg16[%dma_start3A_109, %dma_start3A_110] : memref<10000x128xf32, #tpu.memory_space<vmem_shared>> -> memref<10000x128xf32, #tpu.memory_space<vmem_shared>>
        tpu.enqueue_indirect_dma source(%arg13 : memref<128x128xf32, #tpu.memory_space<vmem>>) target(%dma_start3A_111 : memref<10000x128xf32, #tpu.memory_space<vmem_shared>>) offsets(%arg10 : memref<128xi32, #tpu.memory_space<vmem>>) semaphore(%run_scoped3A : memref<!tpu.dma_semaphore, #tpu.memory_space<semaphore_mem>>) {add = true}
        %dma_wait3A_112 = arith.constant 0 : i32
        %dma_wait3A_113 = arith.constant 0 : i32
        %dma_wait3A_114 = tpu.memref_slice %arg16[%dma_wait3A_112, %dma_wait3A_113] : memref<10000x128xf32, #tpu.memory_space<vmem_shared>> -> memref<10000x128xf32, #tpu.memory_space<vmem_shared>>
        tpu.wait_indirect_dma semaphore(%run_scoped3A : memref<!tpu.dma_semaphore, #tpu.memory_space<semaphore_mem>>) src(%arg13 : memref<128x128xf32, #tpu.memory_space<vmem>>) dst(%dma_wait3A_114 : memref<10000x128xf32, #tpu.memory_space<vmem_shared>>)
        tpu.yield
      }) : () -> ()
    } else {
    }
    %barrier3A_98 = arith.constant 0 : index
    tpu.barrier barrier_id(%barrier3A_98)
    %eq3A_99 = arith.constant 0 : i32
    %eq3A_100 = arith.cmpi eq, %arg0, %eq3A_99 : i32
    %convert_element_type3A_101 = arith.extui %eq3A_100 : i1 to i32
    %cond3A_102 = arith.constant 0 : i32
    %cond3A_103 = arith.cmpi ne, %convert_element_type3A_101, %cond3A_102 : i32
    scf.if %cond3A_103 {
      "tpu.region"() ({
        %run_scoped3A = tpu.sem_alloc : memref<!tpu.dma_semaphore, #tpu.memory_space<semaphore_mem>>
        %dma_start3A_114 = arith.constant 0 : i32
        %dma_start3A_115 = tpu.memref_slice %arg5[%multiple_of3A_66, %dma_start3A_114] : memref<10000x128xf32, #tpu.memory_space<hbm>> -> memref<624x128xf32, #tpu.memory_space<hbm>>
        %dma_start3A_116 = arith.constant 0 : i32
        %dma_start3A_117 = tpu.memref_slice %arg16[%multiple_of3A_66, %dma_start3A_116] : memref<10000x128xf32, #tpu.memory_space<vmem_shared>> -> memref<624x128xf32, #tpu.memory_space<vmem_shared>>
        tpu.enqueue_dma source(%dma_start3A_117 : memref<624x128xf32, #tpu.memory_space<vmem_shared>>) target(%dma_start3A_115 : memref<624x128xf32, #tpu.memory_space<hbm>>) target_semaphore(%run_scoped3A : memref<!tpu.dma_semaphore, #tpu.memory_space<semaphore_mem>>)
        %dma_wait3A_118 = arith.constant 0 : i32
        %dma_wait3A_119 = tpu.memref_slice %arg5[%multiple_of3A_66, %dma_wait3A_118] : memref<10000x128xf32, #tpu.memory_space<hbm>> -> memref<624x128xf32, #tpu.memory_space<hbm>>
        %dma_wait3A_120 = arith.constant 0 : i32
        %dma_wait3A_121 = tpu.memref_slice %arg16[%multiple_of3A_66, %dma_wait3A_120] : memref<10000x128xf32, #tpu.memory_space<vmem_shared>> -> memref<624x128xf32, #tpu.memory_space<vmem_shared>>
        tpu.wait_dma2 semaphore(%run_scoped3A : memref<!tpu.dma_semaphore, #tpu.memory_space<semaphore_mem>>) src(%dma_wait3A_121 : memref<624x128xf32, #tpu.memory_space<vmem_shared>>) dst(%dma_wait3A_119 : memref<624x128xf32, #tpu.memory_space<hbm>>)
        tpu.yield
      }) : () -> ()
      %eq3A_109 = arith.constant 15 : i32
      %eq3A_110 = arith.cmpi eq, %arg1, %eq3A_109 : i32
      %convert_element_type3A_111 = arith.extui %eq3A_110 : i1 to i32
      %cond3A_112 = arith.constant 0 : i32
      %cond3A_113 = arith.cmpi ne, %convert_element_type3A_111, %cond3A_112 : i32
      scf.if %cond3A_113 {
        "tpu.region"() ({
          %run_scoped3A = tpu.sem_alloc : memref<!tpu.dma_semaphore, #tpu.memory_space<semaphore_mem>>
          %dma_start3A_114 = arith.constant 9984 : i32
          %dma_start3A_115 = arith.constant 0 : i32
          %dma_start3A_116 = tpu.memref_slice %arg5[%dma_start3A_114, %dma_start3A_115] : memref<10000x128xf32, #tpu.memory_space<hbm>> -> memref<16x128xf32, #tpu.memory_space<hbm>>
          %dma_start3A_117 = arith.constant 9984 : i32
          %dma_start3A_118 = arith.constant 0 : i32
          %dma_start3A_119 = tpu.memref_slice %arg16[%dma_start3A_117, %dma_start3A_118] : memref<10000x128xf32, #tpu.memory_space<vmem_shared>> -> memref<16x128xf32, #tpu.memory_space<vmem_shared>>
          tpu.enqueue_dma source(%dma_start3A_119 : memref<16x128xf32, #tpu.memory_space<vmem_shared>>) target(%dma_start3A_116 : memref<16x128xf32, #tpu.memory_space<hbm>>) target_semaphore(%run_scoped3A : memref<!tpu.dma_semaphore, #tpu.memory_space<semaphore_mem>>)
          %dma_wait3A_120 = arith.constant 9984 : i32
          %dma_wait3A_121 = arith.constant 0 : i32
          %dma_wait3A_122 = tpu.memref_slice %arg5[%dma_wait3A_120, %dma_wait3A_121] : memref<10000x128xf32, #tpu.memory_space<hbm>> -> memref<16x128xf32, #tpu.memory_space<hbm>>
          %dma_wait3A_123 = arith.constant 9984 : i32
          %dma_wait3A_124 = arith.constant 0 : i32
          %dma_wait3A_125 = tpu.memref_slice %arg16[%dma_wait3A_123, %dma_wait3A_124] : memref<10000x128xf32, #tpu.memory_space<vmem_shared>> -> memref<16x128xf32, #tpu.memory_space<vmem_shared>>
          tpu.wait_dma2 semaphore(%run_scoped3A : memref<!tpu.dma_semaphore, #tpu.memory_space<semaphore_mem>>) src(%dma_wait3A_125 : memref<16x128xf32, #tpu.memory_space<vmem_shared>>) dst(%dma_wait3A_122 : memref<16x128xf32, #tpu.memory_space<hbm>>)
          tpu.yield
        }) : () -> ()
      } else {
      }
    } else {
    }
    %eq3A_104 = arith.constant 1 : i32
    %eq3A_105 = arith.cmpi eq, %arg0, %eq3A_104 : i32
    %convert_element_type3A_106 = arith.extui %eq3A_105 : i1 to i32
    %cond3A_107 = arith.constant 0 : i32
    %cond3A_108 = arith.cmpi ne, %convert_element_type3A_106, %cond3A_107 : i32
    scf.if %cond3A_108 {
      "tpu.region"() ({
        %run_scoped3A = tpu.sem_alloc : memref<!tpu.dma_semaphore, #tpu.memory_space<semaphore_mem>>
        %dma_start3A_114 = arith.constant 0 : i32
        %dma_start3A_115 = tpu.memref_slice %arg6[%multiple_of3A_66, %dma_start3A_114] : memref<10000x128xf32, #tpu.memory_space<hbm>> -> memref<624x128xf32, #tpu.memory_space<hbm>>
        %dma_start3A_116 = arith.constant 0 : i32
        %dma_start3A_117 = tpu.memref_slice %arg16[%multiple_of3A_66, %dma_start3A_116] : memref<10000x128xf32, #tpu.memory_space<vmem_shared>> -> memref<624x128xf32, #tpu.memory_space<vmem_shared>>
        tpu.enqueue_dma source(%dma_start3A_117 : memref<624x128xf32, #tpu.memory_space<vmem_shared>>) target(%dma_start3A_115 : memref<624x128xf32, #tpu.memory_space<hbm>>) target_semaphore(%run_scoped3A : memref<!tpu.dma_semaphore, #tpu.memory_space<semaphore_mem>>)
        %dma_wait3A_118 = arith.constant 0 : i32
        %dma_wait3A_119 = tpu.memref_slice %arg6[%multiple_of3A_66, %dma_wait3A_118] : memref<10000x128xf32, #tpu.memory_space<hbm>> -> memref<624x128xf32, #tpu.memory_space<hbm>>
        %dma_wait3A_120 = arith.constant 0 : i32
        %dma_wait3A_121 = tpu.memref_slice %arg16[%multiple_of3A_66, %dma_wait3A_120] : memref<10000x128xf32, #tpu.memory_space<vmem_shared>> -> memref<624x128xf32, #tpu.memory_space<vmem_shared>>
        tpu.wait_dma2 semaphore(%run_scoped3A : memref<!tpu.dma_semaphore, #tpu.memory_space<semaphore_mem>>) src(%dma_wait3A_121 : memref<624x128xf32, #tpu.memory_space<vmem_shared>>) dst(%dma_wait3A_119 : memref<624x128xf32, #tpu.memory_space<hbm>>)
        tpu.yield
      }) : () -> ()
      %eq3A_109 = arith.constant 15 : i32
      %eq3A_110 = arith.cmpi eq, %arg1, %eq3A_109 : i32
      %convert_element_type3A_111 = arith.extui %eq3A_110 : i1 to i32
      %cond3A_112 = arith.constant 0 : i32
      %cond3A_113 = arith.cmpi ne, %convert_element_type3A_111, %cond3A_112 : i32
      scf.if %cond3A_113 {
        "tpu.region"() ({
          %run_scoped3A = tpu.sem_alloc : memref<!tpu.dma_semaphore, #tpu.memory_space<semaphore_mem>>
          %dma_start3A_114 = arith.constant 9984 : i32
          %dma_start3A_115 = arith.constant 0 : i32
          %dma_start3A_116 = tpu.memref_slice %arg6[%dma_start3A_114, %dma_start3A_115] : memref<10000x128xf32, #tpu.memory_space<hbm>> -> memref<16x128xf32, #tpu.memory_space<hbm>>
          %dma_start3A_117 = arith.constant 9984 : i32
          %dma_start3A_118 = arith.constant 0 : i32
          %dma_start3A_119 = tpu.memref_slice %arg16[%dma_start3A_117, %dma_start3A_118] : memref<10000x128xf32, #tpu.memory_space<vmem_shared>> -> memref<16x128xf32, #tpu.memory_space<vmem_shared>>
          tpu.enqueue_dma source(%dma_start3A_119 : memref<16x128xf32, #tpu.memory_space<vmem_shared>>) target(%dma_start3A_116 : memref<16x128xf32, #tpu.memory_space<hbm>>) target_semaphore(%run_scoped3A : memref<!tpu.dma_semaphore, #tpu.memory_space<semaphore_mem>>)
          %dma_wait3A_120 = arith.constant 9984 : i32
          %dma_wait3A_121 = arith.constant 0 : i32
          %dma_wait3A_122 = tpu.memref_slice %arg6[%dma_wait3A_120, %dma_wait3A_121] : memref<10000x128xf32, #tpu.memory_space<hbm>> -> memref<16x128xf32, #tpu.memory_space<hbm>>
          %dma_wait3A_123 = arith.constant 9984 : i32
          %dma_wait3A_124 = arith.constant 0 : i32
          %dma_wait3A_125 = tpu.memref_slice %arg16[%dma_wait3A_123, %dma_wait3A_124] : memref<10000x128xf32, #tpu.memory_space<vmem_shared>> -> memref<16x128xf32, #tpu.memory_space<vmem_shared>>
          tpu.wait_dma2 semaphore(%run_scoped3A : memref<!tpu.dma_semaphore, #tpu.memory_space<semaphore_mem>>) src(%dma_wait3A_125 : memref<16x128xf32, #tpu.memory_space<vmem_shared>>) dst(%dma_wait3A_122 : memref<16x128xf32, #tpu.memory_space<hbm>>)
          tpu.yield
        }) : () -> ()
      } else {
      }
    } else {
    }
    return
  }
}

</mosaic_0001>

<sc_bundles>
// kernel: _segment_sum_sc.3.cloned.1.call-start
scs
__scs_entry_jumppad:
0x0: {  	(pc) =	sbr.rel $0x88, $3  }
0x1: {  	(tag) =	ssettag $0x0;
	lr =	simm.s32 $0x1  }
0x2: {  	[smem:$0x3F9E] =	sst lr;
	_ =	strace $0xD0000000  }
0x3: {  	_ = 	snop  }
0x4: {  	_ = 	snop  }
0x5: {  	_ = 	snop  }
0x6: {  	_ = 	snop  }
0x7: {  	_ = 	snop  }
__scs_overlays_trampoline_lowered:
0x8: {  	[smem:$0x3FAD] =	sst s0  }
0x9: {  	[smem:$0x3FAE] =	sst s1  }
0xa: {  	[smem:$0x3FAF] =	sst s2  }
0xb: {  	[smem:$0x3FB0] =	sst s3  }
0xc: {  	[smem:$0x3FB1] =	sst s4  }
0xd: {  	[smem:$0x3FB2] =	sst s5  }
0xe: {  	[smem:$0x3FB3] =	sst s6  }
0xf: {  	[smem:$0x3FB4] =	sst s7  }
0x10: {  	[smem:$0x3FB5] =	sst s8  }
0x11: {  	[smem:$0x3FB6] =	sst s9;
	s0 =	simm.s32 @!p0 $0x0  }
0x12: {  	s1 =	sld [smem:$0x3F9C];
	s0 =	simm.s32 @p0 $0x1  }
0x13: {  	[smem:$0x3FB7] =	sst s0;
	s0 =	simm.s32 @!p1 $0x0  }
0x14: {  	s2 =	sld [smem:$0x3F9B];
	s0 =	simm.s32 @p1 $0x1  }
0x15: {  	[smem:$0x3FB8] =	sst s0;
	s0 =	simm.s32 @!p2 $0x0  }
0x16: {  	s3 =	sld [smem:$0x3FDB];
	s0 =	simm.s32 @p2 $0x1  }
0x17: {  	s4 =	simm.s32 $0x1BF5;
	[smem:$0x3FBA] =	sst s0  }
0x18: {  	s0 =	sld [smem:$0x3F9D];
	_ =	swait.ge [sflag:s4], $0x0  }
0x19: {  	s7 =	sld [smem:$0x3F9E]  }
0x1a: {  	s8 =	sadd.s32 $0xFFFFE003, lr  }
0x1b: {  	s9 =	sadd.s32 $0xFFFFFEF7, lr;
	s5 =	simm.s32 $0xFFFFFFFF;
	p2 =	slt.u32 s8, $0xFFFFF086  }
0x1c: {  	p1 =	slt.u32 s9, $0xF7A;
	s5 =	simm.s32 @!p2 $0x0  }
0x1d: {  	s5 =	simm.s32 @p1 $0x1;
	p0 =	seq.s32 s7, s2  }
0x1e: {  	s7 =	smul.u32 @!p0 $0xF7A, s2;
	p2 =	seq.s32 @!p0 s5, $0x0  }
0x1f: {  	s9 =	smul.u32 $0xF7A, s1;
	s8 =	simm.s32 @!p0 $0x1BF5;
	p2 =	por !p2, p0  }
0x20: {  	[sflag:s8] =	ssyncset.s32 @!p0 $0xFFFFF086;
	s6 =	sadd.s32 @!p0 s3, s7;
	s7 =	simm.s32 @!p0 $0x108  }
0x21: {  	s3 =	sadd.s32 s3, s9;
	s6 =	sadd.s32 @!p0 $0x88, s6;
	s7 =	simm.s32 @p2 $0x1082  }
0x22: {  	[simem:s7], [sflag:s8] =	dma.local @!p0 [hbm:s6], $0xF7A  }
0x23: {  	s9 =	sor.u32 $0xD0000000, s2;
	s6 =	simm.s32 $0x108;
	_ =	swait.ge @!p0 [sflag:s8], $0x0  }
0x24: {  	s3 =	sadd.s32 $0x88, s3;
	s6 =	simm.s32 @!p1 $0x1082;
	[sflag:s4] =	ssyncset.s32 $0xFFFFF086  }
0x25: {  	[simem:s6], [sflag:s4] =	dma.local [hbm:s3], $0xF7A  }
0x26: {  	[smem:$0x3F9E] =	sst s1;
	(tag) =	ssettag s2;
	_ =	strace s9  }
0x27: {  	s1 =	sld [smem:$0x3FAE]  }
0x28: {  	s2 =	sld [smem:$0x3FAF]  }
0x29: {  	s4 =	sld [smem:$0x3FB1]  }
0x2a: {  	p0 =	seq.s32 s5, $0x0;
	s5 =	sld [smem:$0x3FB2]  }
0x2b: {  	s6 =	sld [smem:$0x3FB3]  }
0x2c: {  	s7 =	sld [smem:$0x3FB4]  }
0x2d: {  	s3 =	simm.s32 $0x108;
	s8 =	sld [smem:$0x3FB5]  }
0x2e: {  	s3 =	simm.s32 @!p0 $0x1082;
	s9 =	sld [smem:$0x3FB6]  }
0x2f: {  	lr =	sadd.s32 s0, s3;
	s0 =	sld [smem:$0x3FAD]  }
0x30: {  	s3 =	sld [smem:$0x3FB0]  }
0x31: {  	[smem:$0x3FB9] =	sst s10  }
0x32: {  	s10 =	sld [smem:$0x3FB7];
	_ =	sdelay $0x3  }
0x33: {  	p0 =	seq.s32 s10, $0x1;
	s10 =	sld [smem:$0x3FB9];
	_ =	sdelay $0x3  }
0x34: {  	[smem:$0x3FB9] =	sst s10  }
0x35: {  	s10 =	sld [smem:$0x3FB8];
	_ =	sdelay $0x3  }
0x36: {  	p1 =	seq.s32 s10, $0x1;
	s10 =	sld [smem:$0x3FB9];
	_ =	sdelay $0x3  }
0x37: {  	[smem:$0x3FB9] =	sst s10  }
0x38: {  	s10 =	sld [smem:$0x3FBA]  }
0x39: {  	_ = 	snop;
	(pc) =	sbr.ind lr, $3  }
0x3a: {  	_ = 	snop  }
0x3b: {  	_ = 	snop  }
0x3c: {  	p2 =	seq.s32 s10, $0x1;
	s10 =	sld [smem:$0x3FB9]  }
0x3d: {  	_ =	shalt  }
0x3e: {  	_ =	shalt  }
0x3f: {  	_ =	shalt  }
0x40: {  	_ =	shalt  }
0x41: {  	_ =	shalt  }
0x42: {  	_ =	shalt  }
0x43: {  	_ =	shalt  }
0x44: {  	_ =	shalt  }
0x45: {  	_ =	shalt  }
0x46: {  	_ =	shalt  }
0x47: {  	_ =	shalt  }
0x48: {  	_ =	shalt  }
0x49: {  	_ =	shalt  }
0x4a: {  	_ =	shalt  }
0x4b: {  	_ =	shalt  }
0x4c: {  	_ =	shalt  }
0x4d: {  	_ =	shalt  }
0x4e: {  	_ =	shalt  }
0x4f: {  	_ =	shalt  }
0x50: {  	_ =	shalt  }
0x51: {  	_ =	shalt  }
0x52: {  	_ =	shalt  }
0x53: {  	_ =	shalt  }
0x54: {  	_ =	shalt  }
0x55: {  	_ =	shalt  }
0x56: {  	_ =	shalt  }
0x57: {  	_ =	shalt  }
0x58: {  	_ =	shalt  }
0x59: {  	_ =	shalt  }
0x5a: {  	_ =	shalt  }
0x5b: {  	_ =	shalt  }
0x5c: {  	_ =	shalt  }
0x5d: {  	_ =	shalt  }
0x5e: {  	_ =	shalt  }
0x5f: {  	_ =	shalt  }
0x60: {  	_ =	shalt  }
0x61: {  	_ =	shalt  }
0x62: {  	_ =	shalt  }
0x63: {  	_ =	shalt  }
0x64: {  	_ =	shalt  }
0x65: {  	_ =	shalt  }
0x66: {  	_ =	shalt  }
0x67: {  	_ =	shalt  }
0x68: {  	_ =	shalt  }
0x69: {  	_ =	shalt  }
0x6a: {  	_ =	shalt  }
0x6b: {  	_ =	shalt  }
0x6c: {  	_ =	shalt  }
0x6d: {  	_ =	shalt  }
0x6e: {  	_ =	shalt  }
0x6f: {  	_ =	shalt  }
0x70: {  	_ =	shalt  }
0x71: {  	_ =	shalt  }
0x72: {  	_ =	shalt  }
0x73: {  	_ =	shalt  }
0x74: {  	_ =	shalt  }
0x75: {  	_ =	shalt  }
0x76: {  	_ =	shalt  }
0x77: {  	_ =	shalt  }
0x78: {  	_ =	shalt  }
0x79: {  	_ =	shalt  }
0x7a: {  	_ =	shalt  }
0x7b: {  	_ =	shalt  }
0x7c: {  	_ =	shalt  }
0x7d: {  	_ =	shalt  }
0x7e: {  	_ =	shalt  }
0x7f: {  	_ =	shalt  }
0x80: {  	_ =	shalt  }
0x81: {  	_ =	shalt  }
0x82: {  	_ =	shalt  }
0x83: {  	_ =	shalt  }
0x84: {  	_ =	shalt  }
0x85: {  	_ =	shalt  }
0x86: {  	_ =	shalt  }
0x87: {  	_ =	shalt  }
.Lfunc_end0:
.L_simem_size_0:
called_computation_lowered:
.L_overlay_start_0:
0x88: {  	s2 =	sld [smem:$0x3FD9]  }
0x89: {  	s3 =	sld [smem:$0x3FFE];
	_ =	sdelay $0x1  }
0x8a: {  	s1 =	srdreg.scid  }
0x8b: {  	s0 =	sand.u32 $0x1, s1  }
0x8c: {  	s15 =	sshll.u32 s0, $0xA;
	s2 =	sadd.s32 s3, s2  }
0x8d: {  	s2 =	sadd.s32 s2, s15  }
0x8e: {  	[smem:$0x3FC5] =	sst s2  }
0x8f: {  	_ = 	snop  }
0x90: {  	s2 =	sld [smem:$0x3FD0]  }
0x91: {  	s16 =	sld [smem:$0x3FC9]  }
0x92: {  	s4 =	sld [smem:$0x3FC8]  }
0x93: {  	s6 =	simm.s32 $0xA;
	s7 =	simm.s32 $0x10;
	s5 =	sld [smem:$0x3FC7]  }
0x94: {  	[smem:s7], [sflag:s6] =	dma.local [hbm:s2], $0x1  }
0x95: {  	_ =	swait.eq [sflag:s6], $0x1  }
0x96: {  	[sflag:s6] =	ssyncset.done $0x0  }
0x97: {  	s17 =	sld [smem:$0x10];
	[sflag:s6] =	ssyncadd.s32 $0xFFFFFFFF  }
0x98: {  	s18 =	sld [smem:$0x11];
	(tm) =	ssettm $0x1  }
0x99: {  	s19 =	sld [smem:$0x3FFB];
	_ =	sdelay $0x3  }
0x9a: {  	_ =	strace s19  }
0x9b: {  	s7 =	sld [smem:$0x3FFC];
	_ =	sdelay $0x3  }
0x9c: {  	_ =	strace s7  }
0x9d: {  	s7 =	sld [smem:$0x3FFD];
	_ =	sdelay $0x3  }
0x9e: {  	_ =	strace s7  }
0x9f: {  	_ =	strace $0x8FFFFFFF  }
0xa0: {  	s20 =	sld [smem:$0x3FDB];
	_ =	sdelay $0x1  }
0xa1: {  	s8 =	simm.s32 $_scs_section_size  }
0xa2: {  	s9 =	simm.s32 $_size__tile_overlayer_lowered;
	s10 =	simm.s32 $_tile_overlayer_lowered  }
0xa3: {  	s23 =	simm.s32 $0x1BFF;
	s22 =	sshll.u32 s10, $0x1;
	s7 =	sadd.s32 s8, s20  }
0xa4: {  	s11 =	simm.s32 $0x0;
	s21 =	sshll.u32 s9, $0x1;
	s9 =	sadd.s32 s22, s7  }
0xa5: {  	[timem:s11], [sflag:s23] =	dma.local [hbm:s9], s21  }
0xa6: {  	_ =	swait.ge [sflag:s23], s21  }
0xa7: {  	s8 =	ssub.s32 $0x0, s21;
	[sflag:s23] =	ssyncset.done $0x0  }
0xa8: {  	[sflag:s23] =	ssyncadd.s32 s8;
	_ =	sdelay $0x1  }
0xa9: {  	s24 =	simm.s32 $0x1B8B  }
0xaa: {  	_ =	swait.ge [sflag:s24], $0x1  }
0xab: {  	[sflag:s24] =	ssyncset.done $0x0  }
0xac: {  	s25 =	simm.s32 $0x1B8E;
	[sflag:s24] =	ssyncadd.s32 $0xFFFFFFFF  }
0xad: {  	s26 =	simm.s32 $execute0_lowered;
	[smem:$0x3FD2] =	sst s25  }
0xae: {  	s8 =	sshll.u32 s26, $0x1;
	_ =	strace $0x80000046;
	[dreg:$0x1] =	wrdreg $0xFFFFFFFF  }
0xaf: {  	s28 =	simm.s32 $_size_execute0_lowered;
	s7 =	sadd.s32 s7, s8;
	[dreg:$0x0] =	wrdreg $0x0  }
0xb0: {  	s8 =	sshll.u32 s28, $0x1;
	[dreg:$0x2] =	wrdreg s7  }
0xb1: {  	[dreg:$0x3] =	wrdreg s8  }
0xb2: {  	[dreg:$0x4] =	wrdreg $0xC0  }
0xb3: {  	_ =	task [dreg:s11], $0x5FFFF  }
0xb4: {  	[dreg:$0x1] =	wrdreg $0xFFFFFFFF  }
0xb5: {  	[dreg:$0x0] =	wrdreg $0x60  }
0xb6: {  	[dreg:$0x2] =	wrdreg s16  }
0xb7: {  	[dreg:$0x3] =	wrdreg s4  }
0xb8: {  	[dreg:$0x4] =	wrdreg s5  }
0xb9: {  	[dreg:$0x5] =	wrdreg s17  }
0xba: {  	[dreg:$0x6] =	wrdreg s18  }
0xbb: {  	[dreg:$0x7] =	wrdreg $0xC3000  }
0xbc: {  	[dreg:$0x8] =	wrdreg $0x9  }
0xbd: {  	_ =	task.clear_ibuf [dreg:s11], $0x9FFFF;
	_ =	strace $0x90000046  }
0xbe: {  	s29 =	simm.s32 $0x9;
	_ =	strace $0x80000048  }
0xbf: {  	_ =	swait.ge [sflag:s29], $0x1  }
0xc0: {  	[sflag:s29] =	ssyncadd.s32 $0xFFFFFFFF  }
0xc1: {  	_ =	strace $0x90000048  }
0xc2: {  	_ =	sfence  }
0xc3: {  	s30 =	sld [smem:$0x0];
	_ =	sdelay $0x2  }
0xc4: {  	s31 =	sshll.u32 s1, $0xD;
	s1 =	sshrl.u32 s1, $0x2  }
0xc5: {  	s3 =	sand.u32 $0x4000, s31;
	s1 =	sadd.s32 s1, s30  }
0xc6: {  	s0 =	sor.u32 s3, s0;
	s1 =	sshll.u32 s1, $0x11  }
0xc7: {  	s0 =	sor.u32 s1, s0  }
0xc8: {  	s0 =	sadd.s32 $0x8F2B, s0  }
0xc9: {  	[sflag:s0] =	ssyncadd.remote.s32 $0x1  }
0xca: {  	_ =	sfence.sel $0xFFFF  }
0xcb: {  	[dreg:$0x0] =	wrdreg $0xFFFFFFFF;
	(pc) =	sbr.abs _section_cstart, $3  }
0xcc: {  	[dreg:$0x1] =	wrdreg $0xFFFFFFFF  }
0xcd: {  	_ =	task.clear_ibuf [dreg:s11], $0x2FFFF;
	_ =	strace $0x9FFFFFFF  }
0xce: {  	(tm) =	ssettm $0x7FFFFFFF  }
0xcf: {  	_ =	shalt  }
tec
execute0_lowered:
.L_overlay_start_1:
0x0: {  	(tag) =	ssettag $0x1  }
0x1: {  	s1 =	rddreg [dreg:$0x0]  }
0x2: {  	s2 =	rddreg [dreg:$0x1]  }
0x3: {  	s3 =	rddreg [dreg:$0x2]  }
0x4: {  	s12 =	rddreg [dreg:$0x3]  }
0x5: {  	s0 =	srdreg.scid;
	s18 =	rddreg [dreg:$0x4]  }
0x6: {  	s11 =	stileid.u32;
	s7 =	rddreg [dreg:$0x5]  }
0x7: {  	s8 =	simm.s32 $0x0;
	s28 =	simm.s32 $0x2;
	s29 =	simm.s32 $0x4300  }
0x8: {  	s30 =	simm.s32 $0x8300;
	s31 =	simm.s32 $0x7;
	s0 =	sand.u32 $0x1, s0  }
0x9: {  	s4 =	sshll.u32 s11, $0x1;
	[smem:$0x7FF] =	sst s8;
	s21 =	smul.u32 $0x4E000, s11  }
0xa: {  	s22 =	smul.u32 $0x2700, s11;
	s16 =	sadd.s32 $0x138000, s7;
	p1 =	sne.s32 s11, $0xF  }
0xb: {  	p2 =	sgt.u32 s11, $0x1;
	p3 =	seq.s32 s11, $0xF;
	s4 =	sor.u32 s0, s4  }
0xc: {  	s6 =	ssub.s32 $0x2, s0;
	_ =	strace $0x80000047;
	s23 =	smul.u32 $0x4E, s0  }
0xd: {  	p0 =	seq.s32 s0, $0x1;
	s5 =	smul.u32 $0x4E, s4;
	s4 =	smin.u32 s4, $0x4  }
0xe: {  	s9 =	sshrl.u32 s6, $0x1;
	s25 =	sadd.s32 s12, s22;
	s26 =	sadd.s32 s18, s22  }
0xf: {  	s22 =	simm.s32 $0x200;
	s18 =	simm.s32 $0x0;
	s5 =	sadd.s32 s4, s5  }
0x10: {  	s6 =	ssub.s32 s6, s9;
	[dreg:$0xc] =	wrdreg s25;
	s5 =	sshll.u32 s5, $0x4  }
0x11: {  	[dreg:$0xd] =	wrdreg s26;
	s25 =	simm.s32 $0x1;
	s10 =	sadd.s32 s1, s5  }
0x12: {  	s26 =	simm.s32 $0x300;
	s19 =	sadd.s32 s2, s5;
	[dreg:$0x8] =	wrdreg s10  }
0x13: {  	s17 =	sadd.s32 $0x10, s5;
	s5 =	sadd.s32 $0x20, s5;
	[dreg:$0x9] =	wrdreg s19  }
0x14: {  	s9 =	sand.u32 $0x1FFFFFF0, s17;
	s5 =	sand.u32 $0x1FFFFFF0, s5;
	s10 =	sshrl.u32 s21, $0x2  }
0x15: {  	s17 =	smul.u32 $0x9C, s11;
	s19 =	smax.u32 s6, $0x1;
	s21 =	simm.s32 $0x80  }
0x16: {  	s6 =	simm.s32 $0x5;
	s20 =	sadd.s32 s1, s9;
	s9 =	sadd.s32 s2, s9  }
0x17: {  	s13 =	sadd.s32 s1, s5;
	s14 =	sadd.s32 s2, s5;
	s15 =	sadd.s32 s10, s7  }
.Ltmp0:
0x18: {  	[dreg:$0xa] =	wrdreg s20;
	s24 =	sadd.s32 s17, s4;
	(pc) =	sbr.rel .LBB2_1-.Ltmp0, $4  }
0x19: {  	s5 =	simm.s32 $0x4;
	[dreg:$0xb] =	wrdreg s9;
	s0 =	sadd.s32 s23, s24  }
0x1a: {  	s20 =	simm.s32 $0x180;
	[dreg:$0x7] =	wrdreg s0;
	s0 =	simm.s32 @!p3 $0x0  }
0x1b: {  	s4 =	simm.s32 $0x3;
	s17 =	simm.s32 $0x6;
	s0 =	simm.s32 @p3 $0x1  }
0x1c: {  	v0 =	vimm.f32 $0.0e+00;
	s23 =	simm.s32 $0x100;
	s24 =	simm.s32 $0x280;
	[smem:$0x7FD] =	sst s0  }
.LBB2_10:
0x1d: {  	s9 =	sadd.s32 $0x27000, s9;
	s10 =	sshrl.u32 s16, $0x3  }
0x1e: {  	[hbm:s9], [sflag:s0] =	dma.local [spmem:s10], $0x100  }
0x1f: {  	_ =	swait.ge [sflag:s31], $0x100  }
0x20: {  	[sflag:s31] =	ssyncset.done $0x0  }
0x21: {  	[sflag:s31] =	ssyncadd.s32 $0xFFFFFF00  }
.LBB2_11:
0x22: {  	s18 =	sadd.s32 $0x1, s18  }
0x23: {  	p3 =	sne.s32 s18, s19  }
.Ltmp1:
0x24: {  	_ = 	snop;
	(pc) =	sbr.rel @!p3 .LBB2_12-.Ltmp1, $1  }
0x25: {  	_ =	sdelay $0x3  }
.LBB2_1:
0x26: {  	s0 =	rddreg [dreg:$0x8]  }
0x27: {  	[tilespmem:s8], [sflag:$0x1] =	stream.linear.gather [hbm4b:s0+s8], $0x80, $0x38;
	[tilespmem:$0x1FB80] =	vst v63  }
0x28: {  	s10 =	rddreg [dreg:$0x9]  }
0x29: {  	[tilespmem:s20], [sflag:$0x1] =	stream.linear.gather [hbm4b:s10+s8], $0x80, $0x38;
	[tilespmem:$0x1FB80] =	vst v63  }
0x2a: {  	s11 =	rddreg [dreg:$0xa]  }
0x2b: {  	[tilespmem:s21], [sflag:$0x2] =	stream.linear.gather [hbm4b:s11+s8], $0x80, $0x38;
	[tilespmem:$0x1FB80] =	vst v63  }
0x2c: {  	s12 =	rddreg [dreg:$0xb]  }
0x2d: {  	[tilespmem:s22], [sflag:$0x2] =	stream.linear.gather [hbm4b:s12+s8], $0x80, $0x38;
	[tilespmem:$0x1FB80] =	vst v63  }
0x2e: {  	_ = 	snop  }
0x2f: {  	[tilespmem:s23], [sflag:$0x3] =	stream.linear.gather [hbm4b:s13+s8], $0x80, $0x38;
	[tilespmem:$0x1FB80] =	vst v63  }
0x30: {  	_ = 	snop  }
0x31: {  	[tilespmem:s24], [sflag:$0x3] =	stream.linear.gather [hbm4b:s14+s8], $0x80, $0x38;
	[tilespmem:$0x1FB80] =	vst v63  }
0x32: {  	_ =	swait.ge [sflag:s25], $0x80  }
0x33: {  	[sflag:s25] =	ssyncset.done $0x0  }
0x34: {  	[sflag:s25] =	ssyncadd.s32 $0xFFFFFF80  }
0x35: {  	_ =	swait.ge [sflag:s25], $0x80  }
0x36: {  	[sflag:s25] =	ssyncset.done $0x0  }
0x37: {  	[sflag:s25] =	ssyncadd.s32 $0xFFFFFF80  }
0x38: {  	[tilespmem:s26], [sflag:$0x4] =	stream.indirect.gather [hbm4b:s3+s21], $0x80, s8, s21, $0xb8;
	[tilespmem:$0x1FB80] =	vst v63  }
0x39: {  	_ =	swait.ge [sflag:s28], $0x80  }
0x3a: {  	[sflag:s28] =	ssyncset.done $0x0  }
0x3b: {  	[sflag:s28] =	ssyncadd.s32 $0xFFFFFF80  }
0x3c: {  	_ =	swait.ge [sflag:s28], $0x80  }
0x3d: {  	[sflag:s28] =	ssyncset.done $0x0  }
0x3e: {  	s9 =	simm.s32 $0x200;
	s0 =	simm.s32 $0x0;
	[sflag:s28] =	ssyncadd.s32 $0xFFFFFF80  }
0x3f: {  	[tilespmem:s29], [sflag:$0x5] =	stream.indirect.gather [hbm4b:s3+s21], $0x80, s21, s21, $0xb8;
	[tilespmem:$0x1FB80] =	vst v63  }
.LBB2_2:
0x40: {  	p4 =	seq.s32 s9, $0x1E00;
	[tilespmem:s0+$0x8370] =	vst v0  }
0x41: {  	[tilespmem:s0+$0x8300] =	vst v0  }
0x42: {  	[tilespmem:s0+$0x8310] =	vst v0  }
.Ltmp2:
0x43: {  	[tilespmem:s0+$0x8320] =	vst v0;
	(pc) =	sbr.rel @!p4 .LBB2_2-.Ltmp2, $4  }
0x44: {  	[tilespmem:s0+$0x8330] =	vst v0  }
0x45: {  	[tilespmem:s0+$0x8340] =	vst v0  }
0x46: {  	[tilespmem:s0+$0x8350] =	vst v0  }
0x47: {  	[tilespmem:s0+$0x8360] =	vst v0;
	s0 =	sshra.s32 s9, $0x2;
	s9 =	sadd.s32 $0x200, s9  }
0x48: {  	[tilespmem:s0+$0x8370] =	vst v0  }
0x49: {  	[tilespmem:s0+$0x8300] =	vst v0  }
0x4a: {  	[tilespmem:s0+$0x8310] =	vst v0  }
0x4b: {  	[tilespmem:s0+$0x8320] =	vst v0  }
0x4c: {  	[tilespmem:s0+$0x8330] =	vst v0  }
0x4d: {  	[tilespmem:s0+$0x8340] =	vst v0  }
0x4e: {  	[tilespmem:s0+$0x8350] =	vst v0  }
0x4f: {  	[tilespmem:s0+$0x8360] =	vst v0;
	s12 =	sadd.s32 $0x0, s15  }
0x50: {  	[spmem:s12] =	stream.linear.scatter [tilespmem:s30], [sflag:$0x7], $0x800, $0x38;
	[tilespmem:$0x1FB80] =	vst v63  }
0x51: {  	s0 =	simm.s32 $0x2000;
	_ =	swait.ge [sflag:s31], $0x800  }
.LBB2_4:
0x52: {  	s9 =	sshra.s32 s0, $0x2;
	[sflag:s31] =	ssyncset.done $0x0;
	p4 =	sne.s32 s0, $0x4C000  }
.Ltmp3:
0x53: {  	s9 =	sadd.s32 s9, s15;
	[sflag:s31] =	ssyncadd.s32 $0xFFFFF800;
	(pc) =	sbr.rel @p4 .LBB2_4-.Ltmp3, $3  }
0x54: {  	[spmem:s9] =	stream.linear.scatter [tilespmem:s30], [sflag:$0x7], $0x800, $0x38;
	[tilespmem:$0x1FB80] =	vst v63  }
0x55: {  	s0 =	sadd.s32 $0x2000, s0;
	_ =	sdelay $0x1  }
0x56: {  	_ =	swait.ge [sflag:s31], $0x800  }
0x57: {  	[sflag:s31] =	ssyncset.done $0x0  }
0x58: {  	s0 =	simm.s32 @!p1 $0x8300;
	[sflag:s31] =	ssyncadd.s32 $0xFFFFF800  }
0x59: {  	[spmem:s16] =	stream.linear.scatter @!p1 [tilespmem:s0], [sflag:$0x7], $0x800, $0x38;
	[tilespmem:$0x1FB80] =	vst v63  }
0x5a: {  	s0 =	simm.s32 @!p1 $0x7  }
0x5b: {  	_ =	swait.ge @!p1 [sflag:s0], $0x800  }
0x5c: {  	[sflag:s0] =	ssyncset.done @!p1 $0x0  }
0x5d: {  	[sflag:s0] =	ssyncadd.s32 @!p1 $0xFFFFF800  }
0x5e: {  	[bflag:$0x0] =	sbarrier.arrive $0xFFFF  }
0x5f: {  	_ =	swait.ge [sflag:s5], $0x4000  }
0x60: {  	[sflag:s5] =	ssyncset.done $0x0  }
0x61: {  	[sflag:s5] =	ssyncadd.s32 $0xFFFFC000  }
0x62: {  	_ =	swait.ge [sflag:s4], $0x80  }
0x63: {  	[sflag:s4] =	ssyncset.done $0x0  }
0x64: {  	[sflag:s4] =	ssyncadd.s32 $0xFFFFFF80  }
0x65: {  	_ =	swait.ge [sflag:s4], $0x80  }
0x66: {  	[sflag:s4] =	ssyncset.done $0x0  }
0x67: {  	[sflag:s4] =	ssyncadd.s32 $0xFFFFFF80  }
0x68: {  	[tilespmem:s30], [sflag:$0x6] =	stream.indirect.gather [hbm4b:s3+s21], $0x80, s23, s21, $0xb8;
	[tilespmem:$0x1FB80] =	vst v63  }
0x69: {  	_ = 	snop  }
0x6a: {  	[spmem:s7] =	stream.indirect.scatter.add.f32 [tilespmem:s26], [sflag:$0x7], $0x80, s20, s21, $0xb8;
	[tilespmem:$0x1FB80] =	vst v63  }
0x6b: {  	_ =	swait.ge [sflag:s31], $0x4000  }
0x6c: {  	s10 =	rddreg [dreg:$0x7]  }
0x6d: {  	s0 =	sadd.s32 $0xFFFFFFB2, s10  }
0x6e: {  	s9 =	sadd.s32 $0x51, s0  }
0x6f: {  	p4 =	slt.s32 s9, $0x9C3  }
0x70: {  	s9 =	simm.s32 @!p4 $0x9C3  }
0x71: {  	s9 =	sshll.u32 s9, $0x4  }
0x72: {  	[sflag:s31] =	ssyncset.done $0x0;
	s9 =	sand.u32 $0x1FFFFFF0, s9  }
0x73: {  	[sflag:s31] =	ssyncadd.s32 $0xFFFFC000;
	s10 =	sadd.s32 s1, s9  }
0x74: {  	[tilespmem:s8], [sflag:$0x1] =	stream.linear.gather [hbm4b:s10+s8], $0x80, $0x38;
	[tilespmem:$0x1FB80] =	vst v63  }
0x75: {  	s9 =	sadd.s32 s2, s9  }
0x76: {  	[tilespmem:s20], [sflag:$0x1] =	stream.linear.gather [hbm4b:s9+s8], $0x80, $0x38;
	[tilespmem:$0x1FB80] =	vst v63  }
0x77: {  	_ =	swait.ge [sflag:s6], $0x4000  }
0x78: {  	[sflag:s6] =	ssyncset.done $0x0  }
0x79: {  	[sflag:s6] =	ssyncadd.s32 $0xFFFFC000  }
0x7a: {  	_ =	swait.ge [sflag:s25], $0x80  }
0x7b: {  	[sflag:s25] =	ssyncset.done $0x0  }
0x7c: {  	[sflag:s25] =	ssyncadd.s32 $0xFFFFFF80  }
0x7d: {  	_ =	swait.ge [sflag:s25], $0x80  }
0x7e: {  	s9 =	sadd.s32 $0x52, s0;
	[sflag:s25] =	ssyncset.done $0x0  }
0x7f: {  	p4 =	slt.s32 s9, $0x9C3;
	[sflag:s25] =	ssyncadd.s32 $0xFFFFFF80  }
0x80: {  	[tilespmem:s26], [sflag:$0x4] =	stream.indirect.gather [hbm4b:s3+s21], $0x80, s8, s21, $0xb8;
	[tilespmem:$0x1FB80] =	vst v63  }
0x81: {  	s9 =	simm.s32 @!p4 $0x9C3  }
0x82: {  	[spmem:s7] =	stream.indirect.scatter.add.f32 [tilespmem:s29], [sflag:$0x7], $0x80, s22, s21, $0xb8;
	[tilespmem:$0x1FB80] =	vst v63  }
0x83: {  	s9 =	sshll.u32 s9, $0x4;
	_ =	swait.ge [sflag:s31], $0x4000  }
0x84: {  	s9 =	sand.u32 $0x1FFFFFF0, s9;
	[sflag:s31] =	ssyncset.done $0x0  }
0x85: {  	s11 =	sadd.s32 s1, s9;
	[sflag:s31] =	ssyncadd.s32 $0xFFFFC000  }
0x86: {  	[tilespmem:s21], [sflag:$0x2] =	stream.linear.gather [hbm4b:s11+s8], $0x80, $0x38;
	[tilespmem:$0x1FB80] =	vst v63  }
0x87: {  	s9 =	sadd.s32 s2, s9  }
0x88: {  	[tilespmem:s22], [sflag:$0x2] =	stream.linear.gather [hbm4b:s9+s8], $0x80, $0x38;
	[tilespmem:$0x1FB80] =	vst v63  }
0x89: {  	_ =	swait.ge [sflag:s17], $0x4000  }
0x8a: {  	[sflag:s17] =	ssyncset.done $0x0  }
0x8b: {  	[sflag:s17] =	ssyncadd.s32 $0xFFFFC000  }
0x8c: {  	_ =	swait.ge [sflag:s28], $0x80  }
0x8d: {  	[sflag:s28] =	ssyncset.done $0x0  }
0x8e: {  	[sflag:s28] =	ssyncadd.s32 $0xFFFFFF80  }
0x8f: {  	_ =	swait.ge [sflag:s28], $0x80  }
0x90: {  	s0 =	sadd.s32 $0x53, s0;
	[sflag:s28] =	ssyncset.done $0x0  }
0x91: {  	p4 =	slt.s32 s0, $0x9C3;
	[sflag:s28] =	ssyncadd.s32 $0xFFFFFF80  }
0x92: {  	[tilespmem:s29], [sflag:$0x5] =	stream.indirect.gather [hbm4b:s3+s21], $0x80, s21, s21, $0xb8;
	[tilespmem:$0x1FB80] =	vst v63  }
0x93: {  	s0 =	simm.s32 @!p4 $0x9C3  }
0x94: {  	[spmem:s7] =	stream.indirect.scatter.add.f32 [tilespmem:s30], [sflag:$0x7], $0x80, s24, s21, $0xb8;
	[tilespmem:$0x1FB80] =	vst v63  }
0x95: {  	s0 =	sshll.u32 s0, $0x4;
	_ =	swait.ge [sflag:s31], $0x4000  }
0x96: {  	s12 =	sand.u32 $0x1FFFFFF0, s0;
	[sflag:s31] =	ssyncset.done $0x0  }
0x97: {  	s0 =	sadd.s32 s1, s12;
	[sflag:s31] =	ssyncadd.s32 $0xFFFFC000  }
0x98: {  	[tilespmem:s23], [sflag:$0x3] =	stream.linear.gather [hbm4b:s0+s8], $0x80, $0x38;
	[tilespmem:$0x1FB80] =	vst v63  }
0x99: {  	s9 =	sadd.s32 s2, s12;
	s0 =	simm.s32 $0xFFFFFFB5  }
.LBB2_6:
0x9a: {  	[tilespmem:s24], [sflag:$0x3] =	stream.linear.gather [hbm4b:s9+s8], $0x80, $0x38;
	[tilespmem:$0x1FB80] =	vst v63  }
0x9b: {  	_ =	swait.ge [sflag:s5], $0x4000  }
0x9c: {  	[sflag:s5] =	ssyncset.done $0x0  }
0x9d: {  	[sflag:s5] =	ssyncadd.s32 $0xFFFFC000  }
0x9e: {  	_ =	swait.ge [sflag:s4], $0x80  }
0x9f: {  	[sflag:s4] =	ssyncset.done $0x0  }
0xa0: {  	[sflag:s4] =	ssyncadd.s32 $0xFFFFFF80  }
0xa1: {  	_ =	swait.ge [sflag:s4], $0x80  }
0xa2: {  	[sflag:s4] =	ssyncset.done $0x0  }
0xa3: {  	[sflag:s4] =	ssyncadd.s32 $0xFFFFFF80  }
0xa4: {  	[tilespmem:s30], [sflag:$0x6] =	stream.indirect.gather [hbm4b:s3+s21], $0x80, s23, s21, $0xb8;
	[tilespmem:$0x1FB80] =	vst v63  }
0xa5: {  	_ = 	snop  }
0xa6: {  	[spmem:s7] =	stream.indirect.scatter.add.f32 [tilespmem:s26], [sflag:$0x7], $0x80, s20, s21, $0xb8;
	[tilespmem:$0x1FB80] =	vst v63  }
0xa7: {  	_ =	swait.ge [sflag:s31], $0x4000  }
0xa8: {  	s11 =	smov.u32 s0;
	s10 =	rddreg [dreg:$0x7]  }
0xa9: {  	s9 =	sadd.s32 s11, s10  }
0xaa: {  	s10 =	sadd.s32 $0x51, s9  }
0xab: {  	p5 =	slt.s32 s10, $0x9C3  }
0xac: {  	s10 =	simm.s32 @!p5 $0x9C3  }
0xad: {  	s10 =	sshll.u32 s10, $0x4  }
0xae: {  	[sflag:s31] =	ssyncset.done $0x0;
	s10 =	sand.u32 $0x1FFFFFF0, s10  }
0xaf: {  	[sflag:s31] =	ssyncadd.s32 $0xFFFFC000;
	s12 =	sadd.s32 s1, s10  }
0xb0: {  	[tilespmem:s8], [sflag:$0x1] =	stream.linear.gather [hbm4b:s12+s8], $0x80, $0x38;
	[tilespmem:$0x1FB80] =	vst v63  }
0xb1: {  	s10 =	sadd.s32 s2, s10  }
0xb2: {  	[tilespmem:s20], [sflag:$0x1] =	stream.linear.gather [hbm4b:s10+s8], $0x80, $0x38;
	[tilespmem:$0x1FB80] =	vst v63  }
0xb3: {  	_ =	swait.ge [sflag:s6], $0x4000  }
0xb4: {  	[sflag:s6] =	ssyncset.done $0x0  }
0xb5: {  	[sflag:s6] =	ssyncadd.s32 $0xFFFFC000  }
0xb6: {  	_ =	swait.ge [sflag:s25], $0x80  }
0xb7: {  	[sflag:s25] =	ssyncset.done $0x0  }
0xb8: {  	[sflag:s25] =	ssyncadd.s32 $0xFFFFFF80  }
0xb9: {  	_ =	swait.ge [sflag:s25], $0x80  }
0xba: {  	s11 =	sadd.s32 $0x52, s9;
	[sflag:s25] =	ssyncset.done $0x0  }
0xbb: {  	p6 =	slt.s32 s11, $0x9C3;
	[sflag:s25] =	ssyncadd.s32 $0xFFFFFF80  }
0xbc: {  	[tilespmem:s26], [sflag:$0x4] =	stream.indirect.gather [hbm4b:s3+s21], $0x80, s8, s21, $0xb8;
	[tilespmem:$0x1FB80] =	vst v63  }
0xbd: {  	s11 =	simm.s32 @!p6 $0x9C3  }
0xbe: {  	[spmem:s7] =	stream.indirect.scatter.add.f32 [tilespmem:s29], [sflag:$0x7], $0x80, s22, s21, $0xb8;
	[tilespmem:$0x1FB80] =	vst v63  }
0xbf: {  	s11 =	sshll.u32 s11, $0x4;
	_ =	swait.ge [sflag:s31], $0x4000  }
0xc0: {  	s11 =	sand.u32 $0x1FFFFFF0, s11;
	[sflag:s31] =	ssyncset.done $0x0  }
0xc1: {  	s12 =	sadd.s32 s1, s11;
	[sflag:s31] =	ssyncadd.s32 $0xFFFFC000  }
0xc2: {  	[tilespmem:s21], [sflag:$0x2] =	stream.linear.gather [hbm4b:s12+s8], $0x80, $0x38;
	[tilespmem:$0x1FB80] =	vst v63  }
0xc3: {  	s11 =	sadd.s32 s2, s11  }
0xc4: {  	[tilespmem:s22], [sflag:$0x2] =	stream.linear.gather [hbm4b:s11+s8], $0x80, $0x38;
	[tilespmem:$0x1FB80] =	vst v63  }
0xc5: {  	_ =	swait.ge [sflag:s17], $0x4000  }
0xc6: {  	[sflag:s17] =	ssyncset.done $0x0  }
0xc7: {  	[sflag:s17] =	ssyncadd.s32 $0xFFFFC000  }
0xc8: {  	_ =	swait.ge [sflag:s28], $0x80  }
0xc9: {  	[sflag:s28] =	ssyncset.done $0x0  }
0xca: {  	[sflag:s28] =	ssyncadd.s32 $0xFFFFFF80  }
0xcb: {  	_ =	swait.ge [sflag:s28], $0x80  }
0xcc: {  	[sflag:s28] =	ssyncset.done $0x0  }
0xcd: {  	s9 =	sadd.s32 $0x53, s9;
	[sflag:s28] =	ssyncadd.s32 $0xFFFFFF80  }
0xce: {  	[tilespmem:s29], [sflag:$0x5] =	stream.indirect.gather [hbm4b:s3+s21], $0x80, s21, s21, $0xb8;
	[tilespmem:$0x1FB80] =	vst v63  }
0xcf: {  	p4 =	sne.s32 s0, $0xFFFFFFFD;
	p3 =	slt.s32 s9, $0x9C3  }
0xd0: {  	[spmem:s7] =	stream.indirect.scatter.add.f32 [tilespmem:s30], [sflag:$0x7], $0x80, s24, s21, $0xb8;
	[tilespmem:$0x1FB80] =	vst v63  }
.Ltmp4:
0xd1: {  	s9 =	simm.s32 @!p3 $0x9C3;
	(pc) =	sbr.rel @p4 .LBB2_6-.Ltmp4, $4  }
0xd2: {  	s9 =	sshll.u32 s9, $0x4;
	_ =	swait.ge [sflag:s31], $0x4000  }
0xd3: {  	s0 =	sadd.s32 $0x3, s0;
	s9 =	sand.u32 $0x1FFFFFF0, s9;
	[sflag:s31] =	ssyncset.done $0x0  }
0xd4: {  	s12 =	sadd.s32 s1, s9;
	s9 =	sadd.s32 s2, s9;
	[sflag:s31] =	ssyncadd.s32 $0xFFFFC000  }
0xd5: {  	[tilespmem:s23], [sflag:$0x3] =	stream.linear.gather [hbm4b:s12+s8], $0x80, $0x38;
	[tilespmem:$0x1FB80] =	vst v63  }
0xd6: {  	[tilespmem:s24], [sflag:$0x3] =	stream.linear.gather [hbm4b:s9+s8], $0x80, $0x38;
	[tilespmem:$0x1FB80] =	vst v63  }
0xd7: {  	_ =	swait.ge [sflag:s5], $0x4000  }
0xd8: {  	[sflag:s5] =	ssyncset.done $0x0  }
0xd9: {  	[sflag:s5] =	ssyncadd.s32 $0xFFFFC000  }
0xda: {  	_ =	swait.ge [sflag:s6], $0x4000  }
0xdb: {  	[sflag:s6] =	ssyncset.done $0x0  }
0xdc: {  	[sflag:s6] =	ssyncadd.s32 $0xFFFFC000  }
0xdd: {  	_ =	swait.ge [sflag:s4], $0x80  }
0xde: {  	[sflag:s4] =	ssyncset.done $0x0  }
0xdf: {  	[sflag:s4] =	ssyncadd.s32 $0xFFFFFF80  }
0xe0: {  	_ =	swait.ge [sflag:s4], $0x80  }
0xe1: {  	s0 =	simm.s32 @!p2 $0x80;
	[sflag:s4] =	ssyncset.done $0x0  }
0xe2: {  	s9 =	simm.s32 @!p2 $0x180;
	s10 =	simm.s32 @!p2 $0x300;
	[sflag:s4] =	ssyncadd.s32 $0xFFFFFF80  }
0xe3: {  	[spmem:s7] =	stream.indirect.scatter.add.f32 @!p2 [tilespmem:s10], [sflag:$0x7], $0x80, s9, s0, $0xb8;
	[tilespmem:$0x1FB80] =	vst v63  }
0xe4: {  	s0 =	simm.s32 @!p2 $0x7  }
.Ltmp5:
0xe5: {  	_ =	swait.ge @!p2 [sflag:s0], $0x4000;
	(pc) =	sbr.rel @!p0 .LBB2_8-.Ltmp5, $4  }
0xe6: {  	[sflag:s0] =	ssyncset.done @!p2 $0x0  }
0xe7: {  	s12 =	stileid.u32;
	[sflag:s0] =	ssyncadd.s32 @!p2 $0xFFFFC000  }
0xe8: {  	s10 =	sshll.u32 s12, $0x6;
	[bflag:$0x0] =	sbarrier.arrive $0xFFFF  }
0xe9: {  	s9 =	sshrl.u32 s15, $0x3;
	s0 =	sor.u32 $0x1C07, s10  }
0xea: {  	s0 =	sor.u32 $0x1C07, s10;
	s12 =	rddreg [dreg:$0xd]  }
0xeb: {  	[hbm:s12], [sflag:s0] =	dma.local [spmem:s9], $0x2700  }
.Ltmp6:
0xec: {  	_ = 	snop;
	(pc) =	sbr.rel @p1 .LBB2_11-.Ltmp6, $4  }
.Ltmp7:
0xed: {  	_ =	swait.ge [sflag:s31], $0x2700;
	(pc) =	sbr.rel @!p1 .LBB2_10-.Ltmp7, $4  }
0xee: {  	[sflag:s31] =	ssyncset.done $0x0  }
0xef: {  	[sflag:s31] =	ssyncadd.s32 $0xFFFFD900  }
0xf0: {  	s9 =	rddreg [dreg:$0x4]  }
0xf1: {  	_ = 	snop  }
.LBB2_8:
0xf2: {  	s10 =	rddreg [dreg:$0xc]  }
0xf3: {  	[hbm:s10], [sflag:s0] =	dma.local [spmem:s9], $0x2700  }
0xf4: {  	_ =	swait.ge [sflag:s31], $0x2700  }
0xf5: {  	s12 =	sld [smem:$0x7FD];
	_ =	sdelay $0x2  }
0xf6: {  	p3 =	seq.s32 s12, $0x1  }
.Ltmp8:
0xf7: {  	_ = 	snop;
	(pc) =	sbr.rel @p3 .LBB2_10-.Ltmp8, $4  }
.Ltmp9:
0xf8: {  	_ = 	snop;
	(pc) =	sbr.rel @!p3 .LBB2_11-.Ltmp9, $4  }
0xf9: {  	[sflag:s31] =	ssyncset.done $0x0  }
0xfa: {  	[sflag:s31] =	ssyncadd.s32 $0xFFFFD900  }
0xfb: {  	s9 =	rddreg [dreg:$0x3]  }
0xfc: {  	_ = 	snop  }
.LBB2_12:
0xfd: {  	_ =	sfence.sel $0x180000  }
0xfe: {  	[bflag:$0x0] =	sbarrier.arrive $0xFFFF  }
0xff: {  	_ =	strace $0x90000047  }
0x100: {  	s0 =	stileid.u32;
	[bflag:$0x2] =	sbarrier.arrive $0xFFFF  }
0x101: {  	p0 =	sne.s32 s0, $0x0;
	s0 =	rddreg [dreg:$0x6]  }
0x102: {  	s0 =	sadd.s32 @!p0 $0x100000, s0  }
0x103: {  	[sflag:s0] =	ssyncadd.tile.s32 @!p0 $0x1;
	_ =	shalt  }
.Lfunc_end2:
_tile_overlayer_lowered:
.L_overlay_start_2:
0x104: {  	(tag) =	ssettag $0x2  }
0x105: {  	s0 =	rddreg [dreg:$0x0];
	s2 =	stileid.u32  }
0x106: {  	s1 =	rddreg [dreg:$0x1];
	p0 =	sne.s32 s2, $0x0  }
0x107: {  	s3 =	rddreg [dreg:$0x2];
	[bflag:$0x3] =	sbarrier.arrive $0xFFFF;
	s2 =	simm.s32 @!p0 $0x1C07  }
0x108: {  	[timem:s3], [sflag:s2] =	dma.local @!p0 [hbm:s0], s1  }
0x109: {  	s0 =	simm.s32 @!p0 $0x7  }
0x10a: {  	_ =	swait.ge @!p0 [sflag:s0], s1  }
0x10b: {  	s1 =	ssub.s32 @!p0 $0x0, s1;
	[sflag:s0] =	ssyncset.done @!p0 $0x0  }
0x10c: {  	[sflag:s0] =	ssyncadd.s32 @!p0 s1  }
0x10d: {  	[bflag:$0x3] =	sbarrier.arrive $0xFFFF  }
0x10e: {  	_ =	shalt  }

</sc_bundles>
